<compile_context>
chip_gen: v7x
topology: tpu7x:2x2x1
jax: 0.10.2.dev20260603
libtpu: 0.0.44.dev20260713+nightly
codegen_flags: <defaults>
</compile_context>

<pallas_src>
import functools

import jax
import jax.numpy as jnp
from jax import lax
from jax.experimental import pallas as pl
from jax.experimental.pallas import tpu as pltpu
from jax.experimental.pallas import tpu_sc as plsc



def _conv2d(x, w, stride, pad):
    w_hwio = jnp.transpose(w, (2, 3, 1, 0))
    return lax.conv_general_dilated(x, w_hwio, (stride, stride), pad,
                                    dimension_numbers=('NHWC', 'HWIO', 'NHWC'))


def _bnorm(x, p):
    return ((x - p['mean'][None, None, None, :])
            / jnp.sqrt(p['var'][None, None, None, :] + 1e-5)
            * p['scale'][None, None, None, :] + p['bias'][None, None, None, :])


def _resblock(x, p, stride):
    out = jax.nn.relu(_bnorm(_conv2d(x, p['conv1'], stride, ((1, 1), (1, 1))), p['bn1']))
    out = _bnorm(_conv2d(out, p['conv2'], 1, ((1, 1), (1, 1))), p['bn2'])
    if 'down_conv' in p:
        sc = _bnorm(_conv2d(x, p['down_conv'], stride, ((0, 0), (0, 0))), p['down_bn'])
    else:
        sc = x
    return jax.nn.relu(out + sc)


def _backbone(x, params):
    xt = jnp.transpose(x, (0, 2, 3, 1))
    h = jax.nn.relu(_bnorm(_conv2d(xt, params['conv1'], 2, ((3, 3), (3, 3))), params['bn1']))
    h = lax.reduce_window(h, -jnp.inf, lax.max, (1, 3, 3, 1), (1, 2, 2, 1),
                          ((0, 0), (1, 1), (1, 1), (0, 0)))
    strides = [1, 2, 2, 2]
    for si, stage in enumerate(params['stages']):
        h = _resblock(h, stage[0], strides[si])
        h = _resblock(h, stage[1], 1)
    return h.mean(axis=(1, 2))



_B = 32
_E = 8
_K = 2
_DOUT = 10
_DF = 32
_DH = 64


def _erf(x):
    s = jnp.sign(x)
    a = jnp.abs(x)
    t = 1.0 / (1.0 + 0.3275911 * a)
    poly = t * (0.254829592 + t * (-0.284496736 + t * (1.421413741
                + t * (-1.453152027 + t * 1.061405429))))
    return s * (1.0 - poly * jnp.exp(-a * a))


def _gelu_exact(x):
    return 0.5 * x * (1.0 + _erf(x * 0.7071067811865476))


def _head_tc_body(feat_ref, w1_ref, b1_ref, w2_ref, b2_ref, eo_ref):
    feat = feat_ref[...]
    for e in range(_E):
        a = jnp.dot(feat, w1_ref[e], preferred_element_type=jnp.float32) + b1_ref[e]
        a = _gelu_exact(a)
        eo_ref[e] = jnp.dot(a, w2_ref[e], preferred_element_type=jnp.float32) + b2_ref[e]


def _head_tc(feat, w1, b1, w2, b2):
    return pl.pallas_call(
        _head_tc_body,
        out_shape=jax.ShapeDtypeStruct((_E, _B, _DOUT), jnp.float32),
    )(feat, w1, b1, w2, b2)



_NC, _NS, _L = 2, 16, 16


def _route_sc_body(gate_hbm, eo_hbm, out_hbm, gate_v, eo_v, out_v):
    t = lax.axis_index("s") * _NC + lax.axis_index("c")
    pltpu.sync_copy(gate_hbm, gate_v)
    pltpu.sync_copy(eo_hbm, eo_v)
    lane = lax.broadcasted_iota(jnp.int32, (_L,), 0)
    gk = plsc.load_gather(gate_v, [t * _E + lane], mask=lane < _E)
    keys = jnp.where(lane < _E, gk, -jnp.inf)
    skeys, sidx = plsc.sort_key_val(keys, lane, descending=True)
    kmask = lane < _K
    ks = jnp.where(kmask, skeys, -jnp.inf)
    ex = jnp.where(kmask, jnp.exp(ks - jnp.max(ks)), 0.0)
    w = ex / jnp.sum(ex)
    v0 = jnp.sum(jnp.where(lane == 0, sidx, 0))
    v1 = jnp.sum(jnp.where(lane == 1, sidx, 0))
    w0 = jnp.sum(jnp.where(lane == 0, w, 0.0))
    w1 = jnp.sum(jnp.where(lane == 1, w, 0.0))
    omask = lane < _DOUT
    row0 = plsc.load_gather(eo_v, [v0 * (_B * _DOUT) + t * _DOUT + lane], mask=omask)
    row1 = plsc.load_gather(eo_v, [v1 * (_B * _DOUT) + t * _DOUT + lane], mask=omask)
    out_v[...] = jnp.where(omask, w0 * row0 + w1 * row1, 0.0)
    pltpu.sync_copy(out_v, out_hbm.at[t])


@functools.cache
def _make_route_sc():
    return pl.kernel(
        _route_sc_body,
        out_type=jax.ShapeDtypeStruct((_B, _L), jnp.float32),
        mesh=plsc.VectorSubcoreMesh(core_axis_name="c", subcore_axis_name="s"),
        compiler_params=pltpu.CompilerParams(needs_layout_passes=False),
        scratch_types=[
            pltpu.VMEM((_B * _E,), jnp.float32),
            pltpu.VMEM((_E * _B * _DOUT,), jnp.float32),
            pltpu.VMEM((_L,), jnp.float32),
        ],
    )




def kernel(x, gauss, params):
    h = _backbone(x, params)
    feat = h @ params['fc_w'] + params['fc_b']
    gate = feat @ params['gate_w'] + params['gate_b'] + params['noise'][None, :] * gauss
    ex = params['experts']
    w1 = jnp.stack([e['w1'] for e in ex])
    b1 = jnp.stack([e['b1'] for e in ex])
    w2 = jnp.stack([e['w2'] for e in ex])
    b2 = jnp.stack([e['b2'] for e in ex])
    eo = _head_tc(feat, w1, b1, w2, b2)
    out = _make_route_sc()(gate.reshape(_B * _E), eo.reshape(_E * _B * _DOUT))
    return out[:, :_DOUT]

# --- scband reference (transcript-rebuilt; emitter-appended) ---
"""Pipeline reference for scband-simple-moe-52243982188648 (READ-ONLY COPY).

The authoritative reference and input builder live on the scoring server;
editing this copy changes nothing except your own understanding.
"""

import jax, jax.numpy as jnp
import numpy as np
from jax import lax


def _bnp(c):
    return {'scale': jnp.ones((c,), jnp.float32), 'bias': jnp.zeros((c,), jnp.float32),
            'mean': jnp.zeros((c,), jnp.float32), 'var': jnp.ones((c,), jnp.float32)}


def _make_params(key):
    ks = list(jax.random.split(key, 64))
    ctr = [0]
    def rn(shape, scale=0.05):
        k = ks[ctr[0]]; ctr[0] += 1
        return (jax.random.normal(k, shape) * scale).astype(jnp.float32)
    p = {'conv1': rn((64, 3, 7, 7)), 'bn1': _bnp(64)}
    stages = []
    cfg = [(64, 64, 1), (64, 128, 2), (128, 256, 2), (256, 512, 2)]
    for cin, cout, stride in cfg:
        b1 = {'conv1': rn((cout, cin, 3, 3)), 'bn1': _bnp(cout),
              'conv2': rn((cout, cout, 3, 3)), 'bn2': _bnp(cout)}
        if stride != 1 or cin != cout:
            b1['down_conv'] = rn((cout, cin, 1, 1))
            b1['down_bn'] = _bnp(cout)
        b2 = {'conv1': rn((cout, cout, 3, 3)), 'bn1': _bnp(cout),
              'conv2': rn((cout, cout, 3, 3)), 'bn2': _bnp(cout)}
        stages.append([b1, b2])
    p['stages'] = stages
    p['fc_w'] = rn((512, 32)); p['fc_b'] = jnp.zeros((32,), jnp.float32)
    p['gate_w'] = rn((32, 8)); p['gate_b'] = jnp.zeros((8,), jnp.float32)
    p['noise'] = jnp.zeros((8,), jnp.float32)
    p['experts'] = [{'w1': rn((32, 64)), 'b1': jnp.zeros((64,), jnp.float32),
                     'w2': rn((64, 10)), 'b2': jnp.zeros((10,), jnp.float32)} for _ in range(8)]
    return p


def _conv(x, w, stride, pad):
    return lax.conv_general_dilated(x, w, (stride, stride), pad,
                                    dimension_numbers=('NCHW', 'OIHW', 'NCHW'))


def _bn(x, p):
    return ((x - p['mean'][None, :, None, None])
            / jnp.sqrt(p['var'][None, :, None, None] + 1e-5)
            * p['scale'][None, :, None, None] + p['bias'][None, :, None, None])


def _block(x, p, stride):
    out = jax.nn.relu(_bn(_conv(x, p['conv1'], stride, ((1, 1), (1, 1))), p['bn1']))
    out = _bn(_conv(out, p['conv2'], 1, ((1, 1), (1, 1))), p['bn2'])
    if 'down_conv' in p:
        sc = _bn(_conv(x, p['down_conv'], stride, ((0, 0), (0, 0))), p['down_bn'])
    else:
        sc = x
    return jax.nn.relu(out + sc)


def _forward(x, gauss, p):
    # Backbone: resnet18 (eval-mode batchnorm) -> 32-dim features
    h = jax.nn.relu(_bn(_conv(x, p['conv1'], 2, ((3, 3), (3, 3))), p['bn1']))
    h = lax.reduce_window(h, -jnp.inf, lax.max, (1, 1, 3, 3), (1, 1, 2, 2),
                          ((0, 0), (0, 0), (1, 1), (1, 1)))
    strides = [1, 2, 2, 2]
    for si, stage in enumerate(p['stages']):
        h = _block(h, stage[0], strides[si])
        h = _block(h, stage[1], 1)
    h = h.mean(axis=(2, 3))
    feat = h @ p['fc_w'] + p['fc_b']
    # Gating with learned noise scale (gauss is the fixed randn_like sample)
    gate = feat @ p['gate_w'] + p['gate_b']
    gate = gate + p['noise'][None, :] * gauss
    topk_s, topk_i = lax.top_k(gate, 2)
    sm = jax.nn.softmax(topk_s, axis=1)
    # All experts computed densely, then gather top-k (matches torch reference)
    eo = jnp.stack([jax.nn.gelu(feat @ e['w1'] + e['b1'], approximate=False) @ e['w2'] + e['b2']
                    for e in p['experts']], axis=1)
    sel = jnp.take_along_axis(eo, topk_i[:, :, None], axis=1)
    return jnp.sum(sel * sm[:, :, None], axis=1)


def setup_inputs(seed: int = 0):
    key = jax.random.key(seed)
    x = jax.random.normal(jax.random.fold_in(key, 1), (32, 3, 224, 224), dtype=jnp.float32)
    gauss = jax.random.normal(jax.random.fold_in(key, 2), (32, 8), dtype=jnp.float32)
    params = _make_params(jax.random.fold_in(key, 3))
    return {'x': x, 'gauss': gauss, 'params': params}


def reference(x, gauss, params):
    return _forward(x, gauss, params)

if __name__ == "__main__":
    import jax
    _d = setup_inputs()
    print(jax.jit(kernel)(*tuple(_d.values())))

</pallas_src>

<mosaic_0001>
#map = affine_map<(d0, d1) -> (0)>
#map1 = affine_map<(d0, d1) -> (0, 0)>
module attributes {stable_mosaic.version = 14 : i64} {
  func.func @_route_sc_body(%arg0: i32, %arg1: i32, %arg2: memref<256xf32, #tpu.memory_space<hbm>>, %arg3: memref<2560xf32, #tpu.memory_space<hbm>>, %arg4: memref<32x16xf32, #tpu.memory_space<hbm>>, %arg5: memref<256xf32, #tpu.memory_space<vmem>>, %arg6: memref<2560xf32, #tpu.memory_space<vmem>>, %arg7: memref<16xf32, #tpu.memory_space<vmem>>) attributes {dimension_semantics = [#tpu.dimension_semantics<core_parallel>, #tpu.dimension_semantics<subcore_parallel>], iteration_bounds = array<i64: 2, 16>, scalar_prefetch = 0 : i64, scratch_operands = 3 : i64, tpu.core_type = #tpu.core_type<sc_vector_subcore>, window_params = [{transform_indices = #map}, {transform_indices = #map}, {transform_indices = #map1}]} {
    %mul3A = arith.constant 2 : i32
    %mul3A_0 = arith.muli %arg1, %mul3A : i32
    %add3A = arith.addi %mul3A_0, %arg0 : i32
    "tpu.region"() ({
      %run_scoped3A = tpu.sem_alloc : memref<!tpu.dma_semaphore, #tpu.memory_space<semaphore_mem>>
      tpu.enqueue_dma source(%arg2 : memref<256xf32, #tpu.memory_space<hbm>>) target(%arg5 : memref<256xf32, #tpu.memory_space<vmem>>) target_semaphore(%run_scoped3A : memref<!tpu.dma_semaphore, #tpu.memory_space<semaphore_mem>>)
      tpu.wait_dma2 semaphore(%run_scoped3A : memref<!tpu.dma_semaphore, #tpu.memory_space<semaphore_mem>>) src(%arg2 : memref<256xf32, #tpu.memory_space<hbm>>) dst(%arg5 : memref<256xf32, #tpu.memory_space<vmem>>)
      tpu.yield
    }) : () -> ()
    "tpu.region"() ({
      %run_scoped3A = tpu.sem_alloc : memref<!tpu.dma_semaphore, #tpu.memory_space<semaphore_mem>>
      tpu.enqueue_dma source(%arg3 : memref<2560xf32, #tpu.memory_space<hbm>>) target(%arg6 : memref<2560xf32, #tpu.memory_space<vmem>>) target_semaphore(%run_scoped3A : memref<!tpu.dma_semaphore, #tpu.memory_space<semaphore_mem>>)
      tpu.wait_dma2 semaphore(%run_scoped3A : memref<!tpu.dma_semaphore, #tpu.memory_space<semaphore_mem>>) src(%arg3 : memref<2560xf32, #tpu.memory_space<hbm>>) dst(%arg6 : memref<2560xf32, #tpu.memory_space<vmem>>)
      tpu.yield
    }) : () -> ()
    %iota3A = tpu.iota {dimensions = array<i32: 0>} : vector<16xi32>
    %mul3A_1 = arith.constant 8 : i32
    %mul3A_2 = arith.muli %add3A, %mul3A_1 : i32
    %add3A_3 = vector.broadcast %mul3A_2 : i32 to vector<16xi32>
    %add3A_4 = arith.addi %add3A_3, %iota3A : vector<16xi32>
    %lt3A = arith.constant 8 : i32
    %lt3A_5 = vector.broadcast %lt3A : i32 to vector<16xi32>
    %lt3A_6 = arith.cmpi slt, %iota3A, %lt3A_5 : vector<16xi32>
    %gather3A = tpu.vector_load_idx %arg5[%add3A_4] masked %lt3A_6 : memref<256xf32, #tpu.memory_space<vmem>>[vector<16xi32>], vector<16xf32>, vector<16xi1>
    %lt3A_7 = arith.constant 8 : i32
    %lt3A_8 = vector.broadcast %lt3A_7 : i32 to vector<16xi32>
    %lt3A_9 = arith.cmpi slt, %iota3A, %lt3A_8 : vector<16xi32>
    %jit3A = arith.constant 0xFF800000 : f32
    %broadcast_in_dim3A = vector.broadcast %jit3A : f32 to vector<16xf32>
    %select_n3A = arith.select %lt3A_9, %gather3A, %broadcast_in_dim3A : vector<16xi1>, vector<16xf32>
    %masked_sort3A = arith.constant dense<true> : vector<16xi1>
    %masked_sort3A_10, %masked_sort3A_11, %masked_sort3A_12 = tpu.sort %select_n3A, %iota3A masked %masked_sort3A {descending = true} : (vector<16xf32>, vector<16xi32>, vector<16xi1>) -> (vector<16xi1>, vector<16xf32>, vector<16xi32>)
    %lt3A_13 = arith.constant 2 : i32
    %lt3A_14 = vector.broadcast %lt3A_13 : i32 to vector<16xi32>
    %lt3A_15 = arith.cmpi slt, %iota3A, %lt3A_14 : vector<16xi32>
    %jit3A_16 = arith.constant 0xFF800000 : f32
    %broadcast_in_dim3A_17 = vector.broadcast %jit3A_16 : f32 to vector<16xf32>
    %select_n3A_18 = arith.select %lt3A_15, %masked_sort3A_11, %broadcast_in_dim3A_17 : vector<16xi1>, vector<16xf32>
    %reduce_max3A = arith.constant true
    %reduce_max3A_19 = vector.broadcast %reduce_max3A : i1 to vector<16xi1>
    %reduce_max3A_20 = tpu.scan <max>, %select_n3A_18 masked %reduce_max3A_19 : vector<16xf32>, vector<16xi1> -> vector<16xf32>
    %reduce_max3A_21 = vector.extract %reduce_max3A_20[15] : f32 from vector<16xf32>
    %sub3A = vector.broadcast %reduce_max3A_21 : f32 to vector<16xf32>
    %sub3A_22 = arith.subf %select_n3A_18, %sub3A : vector<16xf32>
    %exp3A = math.exp %sub3A_22 : vector<16xf32>
    %jit3A_23 = arith.constant 0.000000e+00 : f32
    %broadcast_in_dim3A_24 = vector.broadcast %jit3A_23 : f32 to vector<16xf32>
    %select_n3A_25 = arith.select %lt3A_15, %exp3A, %broadcast_in_dim3A_24 : vector<16xi1>, vector<16xf32>
    %reduce_sum3A = arith.constant true
    %reduce_sum3A_26 = vector.broadcast %reduce_sum3A : i1 to vector<16xi1>
    %reduce_sum3A_27 = tpu.scan <sum>, %select_n3A_25 masked %reduce_sum3A_26 : vector<16xf32>, vector<16xi1> -> vector<16xf32>
    %reduce_sum3A_28 = vector.extract %reduce_sum3A_27[15] : f32 from vector<16xf32>
    %div3A = vector.broadcast %reduce_sum3A_28 : f32 to vector<16xf32>
    %div3A_29 = arith.divf %select_n3A_25, %div3A : vector<16xf32>
    %eq3A = arith.constant 0 : i32
    %eq3A_30 = vector.broadcast %eq3A : i32 to vector<16xi32>
    %eq3A_31 = arith.cmpi eq, %iota3A, %eq3A_30 : vector<16xi32>
    %jit3A_32 = arith.constant 0 : i32
    %broadcast_in_dim3A_33 = vector.broadcast %jit3A_32 : i32 to vector<16xi32>
    %select_n3A_34 = arith.select %eq3A_31, %masked_sort3A_12, %broadcast_in_dim3A_33 : vector<16xi1>, vector<16xi32>
    %reduce_sum3A_35 = arith.constant true
    %reduce_sum3A_36 = vector.broadcast %reduce_sum3A_35 : i1 to vector<16xi1>
    %reduce_sum3A_37 = tpu.scan <sum>, %select_n3A_34 masked %reduce_sum3A_36 : vector<16xi32>, vector<16xi1> -> vector<16xi32>
    %reduce_sum3A_38 = vector.extract %reduce_sum3A_37[15] : i32 from vector<16xi32>
    %eq3A_39 = arith.constant 1 : i32
    %eq3A_40 = vector.broadcast %eq3A_39 : i32 to vector<16xi32>
    %eq3A_41 = arith.cmpi eq, %iota3A, %eq3A_40 : vector<16xi32>
    %jit3A_42 = arith.constant 0 : i32
    %broadcast_in_dim3A_43 = vector.broadcast %jit3A_42 : i32 to vector<16xi32>
    %select_n3A_44 = arith.select %eq3A_41, %masked_sort3A_12, %broadcast_in_dim3A_43 : vector<16xi1>, vector<16xi32>
    %reduce_sum3A_45 = arith.constant true
    %reduce_sum3A_46 = vector.broadcast %reduce_sum3A_45 : i1 to vector<16xi1>
    %reduce_sum3A_47 = tpu.scan <sum>, %select_n3A_44 masked %reduce_sum3A_46 : vector<16xi32>, vector<16xi1> -> vector<16xi32>
    %reduce_sum3A_48 = vector.extract %reduce_sum3A_47[15] : i32 from vector<16xi32>
    %eq3A_49 = arith.constant 0 : i32
    %eq3A_50 = vector.broadcast %eq3A_49 : i32 to vector<16xi32>
    %eq3A_51 = arith.cmpi eq, %iota3A, %eq3A_50 : vector<16xi32>
    %jit3A_52 = arith.constant 0.000000e+00 : f32
    %broadcast_in_dim3A_53 = vector.broadcast %jit3A_52 : f32 to vector<16xf32>
    %select_n3A_54 = arith.select %eq3A_51, %div3A_29, %broadcast_in_dim3A_53 : vector<16xi1>, vector<16xf32>
    %reduce_sum3A_55 = arith.constant true
    %reduce_sum3A_56 = vector.broadcast %reduce_sum3A_55 : i1 to vector<16xi1>
    %reduce_sum3A_57 = tpu.scan <sum>, %select_n3A_54 masked %reduce_sum3A_56 : vector<16xf32>, vector<16xi1> -> vector<16xf32>
    %reduce_sum3A_58 = vector.extract %reduce_sum3A_57[15] : f32 from vector<16xf32>
    %eq3A_59 = arith.constant 1 : i32
    %eq3A_60 = vector.broadcast %eq3A_59 : i32 to vector<16xi32>
    %eq3A_61 = arith.cmpi eq, %iota3A, %eq3A_60 : vector<16xi32>
    %jit3A_62 = arith.constant 0.000000e+00 : f32
    %broadcast_in_dim3A_63 = vector.broadcast %jit3A_62 : f32 to vector<16xf32>
    %select_n3A_64 = arith.select %eq3A_61, %div3A_29, %broadcast_in_dim3A_63 : vector<16xi1>, vector<16xf32>
    %reduce_sum3A_65 = arith.constant true
    %reduce_sum3A_66 = vector.broadcast %reduce_sum3A_65 : i1 to vector<16xi1>
    %reduce_sum3A_67 = tpu.scan <sum>, %select_n3A_64 masked %reduce_sum3A_66 : vector<16xf32>, vector<16xi1> -> vector<16xf32>
    %reduce_sum3A_68 = vector.extract %reduce_sum3A_67[15] : f32 from vector<16xf32>
    %lt3A_69 = arith.constant 10 : i32
    %lt3A_70 = vector.broadcast %lt3A_69 : i32 to vector<16xi32>
    %lt3A_71 = arith.cmpi slt, %iota3A, %lt3A_70 : vector<16xi32>
    %mul3A_72 = arith.constant 320 : i32
    %mul3A_73 = arith.muli %reduce_sum3A_38, %mul3A_72 : i32
    %mul3A_74 = arith.constant 10 : i32
    %mul3A_75 = arith.muli %add3A, %mul3A_74 : i32
    %add3A_76 = arith.addi %mul3A_73, %mul3A_75 : i32
    %add3A_77 = vector.broadcast %add3A_76 : i32 to vector<16xi32>
    %add3A_78 = arith.addi %add3A_77, %iota3A : vector<16xi32>
    %gather3A_79 = tpu.vector_load_idx %arg6[%add3A_78] masked %lt3A_71 : memref<2560xf32, #tpu.memory_space<vmem>>[vector<16xi32>], vector<16xf32>, vector<16xi1>
    %mul3A_80 = arith.constant 320 : i32
    %mul3A_81 = arith.muli %reduce_sum3A_48, %mul3A_80 : i32
    %mul3A_82 = arith.constant 10 : i32
    %mul3A_83 = arith.muli %add3A, %mul3A_82 : i32
    %add3A_84 = arith.addi %mul3A_81, %mul3A_83 : i32
    %add3A_85 = vector.broadcast %add3A_84 : i32 to vector<16xi32>
    %add3A_86 = arith.addi %add3A_85, %iota3A : vector<16xi32>
    %gather3A_87 = tpu.vector_load_idx %arg6[%add3A_86] masked %lt3A_71 : memref<2560xf32, #tpu.memory_space<vmem>>[vector<16xi32>], vector<16xf32>, vector<16xi1>
    %mul3A_88 = vector.broadcast %reduce_sum3A_58 : f32 to vector<16xf32>
    %mul3A_89 = arith.mulf %mul3A_88, %gather3A_79 : vector<16xf32>
    %mul3A_90 = vector.broadcast %reduce_sum3A_68 : f32 to vector<16xf32>
    %mul3A_91 = arith.mulf %mul3A_90, %gather3A_87 : vector<16xf32>
    %add3A_92 = arith.addf %mul3A_89, %mul3A_91 : vector<16xf32>
    %jit3A_93 = arith.constant 0.000000e+00 : f32
    %broadcast_in_dim3A_94 = vector.broadcast %jit3A_93 : f32 to vector<16xf32>
    %select_n3A_95 = arith.select %lt3A_71, %add3A_92, %broadcast_in_dim3A_94 : vector<16xi1>, vector<16xf32>
    %swap3A = arith.constant 0 : index
    %swap3A_96 = tpu.vector_load %arg7[%swap3A] {strides = array<i32>} : memref<16xf32, #tpu.memory_space<vmem>>, vector<16xf32>,
    tpu.vector_store %arg7[%swap3A], %select_n3A_95 {strides = array<i32>} : memref<16xf32, #tpu.memory_space<vmem>>, vector<16xf32>,
    "tpu.region"() ({
      %run_scoped3A = tpu.sem_alloc : memref<!tpu.dma_semaphore, #tpu.memory_space<semaphore_mem>>
      %dma_start3A = arith.constant 0 : i32
      %dma_start3A_97 = tpu.memref_slice %arg4[%add3A, %dma_start3A] : memref<32x16xf32, #tpu.memory_space<hbm>> -> memref<1x16xf32, #tpu.memory_space<hbm>>
      %dma_start3A_98 = tpu.memref_squeeze %dma_start3A_97 : memref<1x16xf32, #tpu.memory_space<hbm>> -> memref<16xf32, #tpu.memory_space<hbm>>
      %dma_start3A_99 = arith.constant 0 : i32
      %dma_start3A_100 = tpu.memref_slice %arg4[%add3A, %dma_start3A_99] : memref<32x16xf32, #tpu.memory_space<hbm>> -> memref<1x16xf32, #tpu.memory_space<hbm>>
      %dma_start3A_101 = tpu.memref_squeeze %dma_start3A_100 : memref<1x16xf32, #tpu.memory_space<hbm>> -> memref<16xf32, #tpu.memory_space<hbm>>
      tpu.enqueue_dma source(%arg7 : memref<16xf32, #tpu.memory_space<vmem>>) target(%dma_start3A_101 : memref<16xf32, #tpu.memory_space<hbm>>) target_semaphore(%run_scoped3A : memref<!tpu.dma_semaphore, #tpu.memory_space<semaphore_mem>>)
      %dma_wait3A = arith.constant 0 : i32
      %dma_wait3A_102 = tpu.memref_slice %arg4[%add3A, %dma_wait3A] : memref<32x16xf32, #tpu.memory_space<hbm>> -> memref<1x16xf32, #tpu.memory_space<hbm>>
      %dma_wait3A_103 = tpu.memref_squeeze %dma_wait3A_102 : memref<1x16xf32, #tpu.memory_space<hbm>> -> memref<16xf32, #tpu.memory_space<hbm>>
      %dma_wait3A_104 = arith.constant 0 : i32
      %dma_wait3A_105 = tpu.memref_slice %arg4[%add3A, %dma_wait3A_104] : memref<32x16xf32, #tpu.memory_space<hbm>> -> memref<1x16xf32, #tpu.memory_space<hbm>>
      %dma_wait3A_106 = tpu.memref_squeeze %dma_wait3A_105 : memref<1x16xf32, #tpu.memory_space<hbm>> -> memref<16xf32, #tpu.memory_space<hbm>>
      tpu.wait_dma2 semaphore(%run_scoped3A : memref<!tpu.dma_semaphore, #tpu.memory_space<semaphore_mem>>) src(%arg7 : memref<16xf32, #tpu.memory_space<vmem>>) dst(%dma_wait3A_106 : memref<16xf32, #tpu.memory_space<hbm>>)
      tpu.yield
    }) : () -> ()
    return
  }
}

module attributes {stable_mosaic.version = 14 : i64} {
  func.func @_head_tc_body(%arg0: memref<32x32xf32, #tpu.memory_space<vmem>>, %arg1: memref<8x32x64xf32, #tpu.memory_space<vmem>>, %arg2: memref<8x64xf32, #tpu.memory_space<vmem>>, %arg3: memref<8x64x10xf32, #tpu.memory_space<vmem>>, %arg4: memref<8x10xf32, #tpu.memory_space<vmem>>, %arg5: memref<8x32x10xf32, #tpu.memory_space<vmem>>) attributes {dimension_semantics = [], scalar_prefetch = 0 : i64, scratch_operands = 0 : i64, tpu.core_type = #tpu.core_type<tc>} {
    %get3A = arith.constant 0 : index
    %get3A_0 = arith.constant 0 : index
    %get3A_1 = vector.load %arg0[%get3A, %get3A_0] : memref<32x32xf32, #tpu.memory_space<vmem>>, vector<32x32xf32>
    %get3A_2 = arith.constant 0 : index
    %get3A_3 = arith.constant 0 : index
    %get3A_4 = arith.constant 0 : index
    %get3A_5 = vector.load %arg1[%get3A_2, %get3A_3, %get3A_4] : memref<8x32x64xf32, #tpu.memory_space<vmem>>, vector<1x32x64xf32>
    %get3A_6 = vector.shape_cast %get3A_5 : vector<1x32x64xf32> to vector<32x64xf32>
    %dot_general3A = arith.constant dense<0.000000e+00> : vector<32x64xf32>
    %dot_general3A_7 = tpu.matmul %get3A_1, %get3A_6, %dot_general3A {dimension_numbers = #tpu.dot_dimension_numbers<[1], [0], [0], [1], [0, 0, 1, 1], [], []>, transpose_lhs_hint = false} : vector<32x32xf32>, vector<32x64xf32>, vector<32x64xf32> -> vector<32x64xf32>
    %get3A_8 = arith.constant 0 : index
    %get3A_9 = arith.constant 0 : index
    %get3A_10 = vector.load %arg2[%get3A_8, %get3A_9] : memref<8x64xf32, #tpu.memory_space<vmem>>, vector<1x64xf32>
    %get3A_11 = vector.shape_cast %get3A_10 : vector<1x64xf32> to vector<64xf32>
    %broadcast_in_dim3A = vector.shape_cast %get3A_11 : vector<64xf32> to vector<1x64xf32>
    %add3A = vector.broadcast %broadcast_in_dim3A : vector<1x64xf32> to vector<32x64xf32>
    %add3A_12 = arith.addf %dot_general3A_7, %add3A : vector<32x64xf32>
    %mul3A = arith.constant 5.000000e-01 : f32
    %mul3A_13 = vector.broadcast %mul3A : f32 to vector<32x64xf32>
    %mul3A_14 = arith.mulf %mul3A_13, %add3A_12 : vector<32x64xf32>
    %mul3A_15 = arith.constant 0.707106769 : f32
    %mul3A_16 = vector.broadcast %mul3A_15 : f32 to vector<32x64xf32>
    %mul3A_17 = arith.mulf %add3A_12, %mul3A_16 : vector<32x64xf32>
    %sign3A = tpu.bitcast %mul3A_17 : vector<32x64xf32> -> vector<32x64xi32>
    %sign3A_18 = arith.constant -2147483648 : i32
    %sign3A_19 = vector.broadcast %sign3A_18 : i32 to vector<32x64xi32>
    %sign3A_20 = arith.andi %sign3A, %sign3A_19 : vector<32x64xi32>
    %sign3A_21 = arith.constant 1065353216 : i32
    %sign3A_22 = vector.broadcast %sign3A_21 : i32 to vector<32x64xi32>
    %sign3A_23 = arith.ori %sign3A_22, %sign3A_20 : vector<32x64xi32>
    %sign3A_24 = tpu.bitcast %sign3A_23 : vector<32x64xi32> -> vector<32x64xf32>
    %sign3A_25 = math.absf %mul3A_17 : vector<32x64xf32>
    %sign3A_26 = arith.constant 0.000000e+00 : f32
    %sign3A_27 = vector.broadcast %sign3A_26 : f32 to vector<32x64xf32>
    %sign3A_28 = arith.cmpf ogt, %sign3A_25, %sign3A_27 : vector<32x64xf32>
    %sign3A_29 = arith.select %sign3A_28, %sign3A_24, %mul3A_17 : vector<32x64xi1>, vector<32x64xf32>
    %abs3A = math.absf %mul3A_17 : vector<32x64xf32>
    %mul3A_30 = arith.constant 0.327591091 : f32
    %mul3A_31 = vector.broadcast %mul3A_30 : f32 to vector<32x64xf32>
    %mul3A_32 = arith.mulf %mul3A_31, %abs3A : vector<32x64xf32>
    %add3A_33 = arith.constant 1.000000e+00 : f32
    %add3A_34 = vector.broadcast %add3A_33 : f32 to vector<32x64xf32>
    %add3A_35 = arith.addf %add3A_34, %mul3A_32 : vector<32x64xf32>
    %div3A = arith.constant 1.000000e+00 : f32
    %div3A_36 = vector.broadcast %div3A : f32 to vector<32x64xf32>
    %div3A_37 = arith.divf %div3A_36, %add3A_35 : vector<32x64xf32>
    %mul3A_38 = arith.constant 1.06140542 : f32
    %mul3A_39 = vector.broadcast %mul3A_38 : f32 to vector<32x64xf32>
    %mul3A_40 = arith.mulf %div3A_37, %mul3A_39 : vector<32x64xf32>
    %add3A_41 = arith.constant -1.45315206 : f32
    %add3A_42 = vector.broadcast %add3A_41 : f32 to vector<32x64xf32>
    %add3A_43 = arith.addf %add3A_42, %mul3A_40 : vector<32x64xf32>
    %mul3A_44 = arith.mulf %div3A_37, %add3A_43 : vector<32x64xf32>
    %add3A_45 = arith.constant 1.42141378 : f32
    %add3A_46 = vector.broadcast %add3A_45 : f32 to vector<32x64xf32>
    %add3A_47 = arith.addf %add3A_46, %mul3A_44 : vector<32x64xf32>
    %mul3A_48 = arith.mulf %div3A_37, %add3A_47 : vector<32x64xf32>
    %add3A_49 = arith.constant -0.284496725 : f32
    %add3A_50 = vector.broadcast %add3A_49 : f32 to vector<32x64xf32>
    %add3A_51 = arith.addf %add3A_50, %mul3A_48 : vector<32x64xf32>
    %mul3A_52 = arith.mulf %div3A_37, %add3A_51 : vector<32x64xf32>
    %add3A_53 = arith.constant 0.254829586 : f32
    %add3A_54 = vector.broadcast %add3A_53 : f32 to vector<32x64xf32>
    %add3A_55 = arith.addf %add3A_54, %mul3A_52 : vector<32x64xf32>
    %mul3A_56 = arith.mulf %div3A_37, %add3A_55 : vector<32x64xf32>
    %neg3A = arith.constant 0.000000e+00 : f32
    %neg3A_57 = vector.broadcast %neg3A : f32 to vector<32x64xf32>
    %neg3A_58 = arith.subf %neg3A_57, %abs3A : vector<32x64xf32>
    %mul3A_59 = arith.mulf %neg3A_58, %abs3A : vector<32x64xf32>
    %exp3A = math.exp %mul3A_59 : vector<32x64xf32>
    %mul3A_60 = arith.mulf %mul3A_56, %exp3A : vector<32x64xf32>
    %sub3A = arith.constant 1.000000e+00 : f32
    %sub3A_61 = vector.broadcast %sub3A : f32 to vector<32x64xf32>
    %sub3A_62 = arith.subf %sub3A_61, %mul3A_60 : vector<32x64xf32>
    %mul3A_63 = arith.mulf %sign3A_29, %sub3A_62 : vector<32x64xf32>
    %add3A_64 = arith.constant 1.000000e+00 : f32
    %add3A_65 = vector.broadcast %add3A_64 : f32 to vector<32x64xf32>
    %add3A_66 = arith.addf %add3A_65, %mul3A_63 : vector<32x64xf32>
    %mul3A_67 = arith.mulf %mul3A_14, %add3A_66 : vector<32x64xf32>
    %get3A_68 = arith.constant 0 : index
    %get3A_69 = arith.constant 0 : index
    %get3A_70 = arith.constant 0 : index
    %get3A_71 = vector.load %arg3[%get3A_68, %get3A_69, %get3A_70] : memref<8x64x10xf32, #tpu.memory_space<vmem>>, vector<1x64x10xf32>
    %get3A_72 = vector.shape_cast %get3A_71 : vector<1x64x10xf32> to vector<64x10xf32>
    %dot_general3A_73 = arith.constant dense<0.000000e+00> : vector<32x10xf32>
    %dot_general3A_74 = tpu.matmul %mul3A_67, %get3A_72, %dot_general3A_73 {dimension_numbers = #tpu.dot_dimension_numbers<[1], [0], [0], [1], [0, 0, 1, 1], [], []>, transpose_lhs_hint = false} : vector<32x64xf32>, vector<64x10xf32>, vector<32x10xf32> -> vector<32x10xf32>
    %get3A_75 = arith.constant 0 : index
    %get3A_76 = arith.constant 0 : index
    %get3A_77 = vector.load %arg4[%get3A_75, %get3A_76] : memref<8x10xf32, #tpu.memory_space<vmem>>, vector<1x10xf32>
    %get3A_78 = vector.shape_cast %get3A_77 : vector<1x10xf32> to vector<10xf32>
    %broadcast_in_dim3A_79 = vector.shape_cast %get3A_78 : vector<10xf32> to vector<1x10xf32>
    %add3A_80 = vector.broadcast %broadcast_in_dim3A_79 : vector<1x10xf32> to vector<32x10xf32>
    %add3A_81 = arith.addf %dot_general3A_74, %add3A_80 : vector<32x10xf32>
    %swap3A = arith.constant 0 : index
    %swap3A_82 = arith.constant 0 : index
    %swap3A_83 = arith.constant 0 : index
    %swap3A_84 = vector.load %arg5[%swap3A, %swap3A_82, %swap3A_83] : memref<8x32x10xf32, #tpu.memory_space<vmem>>, vector<1x32x10xf32>
    %swap3A_85 = vector.shape_cast %swap3A_84 : vector<1x32x10xf32> to vector<32x10xf32>
    %swap3A_86 = vector.shape_cast %add3A_81 : vector<32x10xf32> to vector<1x32x10xf32>
    tpu.vector_store %arg5[%swap3A, %swap3A_82, %swap3A_83], %swap3A_86 {strides = array<i32>} : memref<8x32x10xf32, #tpu.memory_space<vmem>>, vector<1x32x10xf32>,
    %get3A_87 = arith.constant 1 : index
    %get3A_88 = arith.constant 0 : index
    %get3A_89 = arith.constant 0 : index
    %get3A_90 = vector.load %arg1[%get3A_87, %get3A_88, %get3A_89] : memref<8x32x64xf32, #tpu.memory_space<vmem>>, vector<1x32x64xf32>
    %get3A_91 = vector.shape_cast %get3A_90 : vector<1x32x64xf32> to vector<32x64xf32>
    %dot_general3A_92 = arith.constant dense<0.000000e+00> : vector<32x64xf32>
    %dot_general3A_93 = tpu.matmul %get3A_1, %get3A_91, %dot_general3A_92 {dimension_numbers = #tpu.dot_dimension_numbers<[1], [0], [0], [1], [0, 0, 1, 1], [], []>, transpose_lhs_hint = false} : vector<32x32xf32>, vector<32x64xf32>, vector<32x64xf32> -> vector<32x64xf32>
    %get3A_94 = arith.constant 1 : index
    %get3A_95 = arith.constant 0 : index
    %get3A_96 = vector.load %arg2[%get3A_94, %get3A_95] : memref<8x64xf32, #tpu.memory_space<vmem>>, vector<1x64xf32>
    %get3A_97 = vector.shape_cast %get3A_96 : vector<1x64xf32> to vector<64xf32>
    %broadcast_in_dim3A_98 = vector.shape_cast %get3A_97 : vector<64xf32> to vector<1x64xf32>
    %add3A_99 = vector.broadcast %broadcast_in_dim3A_98 : vector<1x64xf32> to vector<32x64xf32>
    %add3A_100 = arith.addf %dot_general3A_93, %add3A_99 : vector<32x64xf32>
    %mul3A_101 = arith.constant 5.000000e-01 : f32
    %mul3A_102 = vector.broadcast %mul3A_101 : f32 to vector<32x64xf32>
    %mul3A_103 = arith.mulf %mul3A_102, %add3A_100 : vector<32x64xf32>
    %mul3A_104 = arith.constant 0.707106769 : f32
    %mul3A_105 = vector.broadcast %mul3A_104 : f32 to vector<32x64xf32>
    %mul3A_106 = arith.mulf %add3A_100, %mul3A_105 : vector<32x64xf32>
    %sign3A_107 = tpu.bitcast %mul3A_106 : vector<32x64xf32> -> vector<32x64xi32>
    %sign3A_108 = arith.constant -2147483648 : i32
    %sign3A_109 = vector.broadcast %sign3A_108 : i32 to vector<32x64xi32>
    %sign3A_110 = arith.andi %sign3A_107, %sign3A_109 : vector<32x64xi32>
    %sign3A_111 = arith.constant 1065353216 : i32
    %sign3A_112 = vector.broadcast %sign3A_111 : i32 to vector<32x64xi32>
    %sign3A_113 = arith.ori %sign3A_112, %sign3A_110 : vector<32x64xi32>
    %sign3A_114 = tpu.bitcast %sign3A_113 : vector<32x64xi32> -> vector<32x64xf32>
    %sign3A_115 = math.absf %mul3A_106 : vector<32x64xf32>
    %sign3A_116 = arith.constant 0.000000e+00 : f32
    %sign3A_117 = vector.broadcast %sign3A_116 : f32 to vector<32x64xf32>
    %sign3A_118 = arith.cmpf ogt, %sign3A_115, %sign3A_117 : vector<32x64xf32>
    %sign3A_119 = arith.select %sign3A_118, %sign3A_114, %mul3A_106 : vector<32x64xi1>, vector<32x64xf32>
    %abs3A_120 = math.absf %mul3A_106 : vector<32x64xf32>
    %mul3A_121 = arith.constant 0.327591091 : f32
    %mul3A_122 = vector.broadcast %mul3A_121 : f32 to vector<32x64xf32>
    %mul3A_123 = arith.mulf %mul3A_122, %abs3A_120 : vector<32x64xf32>
    %add3A_124 = arith.constant 1.000000e+00 : f32
    %add3A_125 = vector.broadcast %add3A_124 : f32 to vector<32x64xf32>
    %add3A_126 = arith.addf %add3A_125, %mul3A_123 : vector<32x64xf32>
    %div3A_127 = arith.constant 1.000000e+00 : f32
    %div3A_128 = vector.broadcast %div3A_127 : f32 to vector<32x64xf32>
    %div3A_129 = arith.divf %div3A_128, %add3A_126 : vector<32x64xf32>
    %mul3A_130 = arith.constant 1.06140542 : f32
    %mul3A_131 = vector.broadcast %mul3A_130 : f32 to vector<32x64xf32>
    %mul3A_132 = arith.mulf %div3A_129, %mul3A_131 : vector<32x64xf32>
    %add3A_133 = arith.constant -1.45315206 : f32
    %add3A_134 = vector.broadcast %add3A_133 : f32 to vector<32x64xf32>
    %add3A_135 = arith.addf %add3A_134, %mul3A_132 : vector<32x64xf32>
    %mul3A_136 = arith.mulf %div3A_129, %add3A_135 : vector<32x64xf32>
    %add3A_137 = arith.constant 1.42141378 : f32
    %add3A_138 = vector.broadcast %add3A_137 : f32 to vector<32x64xf32>
    %add3A_139 = arith.addf %add3A_138, %mul3A_136 : vector<32x64xf32>
    %mul3A_140 = arith.mulf %div3A_129, %add3A_139 : vector<32x64xf32>
    %add3A_141 = arith.constant -0.284496725 : f32
    %add3A_142 = vector.broadcast %add3A_141 : f32 to vector<32x64xf32>
    %add3A_143 = arith.addf %add3A_142, %mul3A_140 : vector<32x64xf32>
    %mul3A_144 = arith.mulf %div3A_129, %add3A_143 : vector<32x64xf32>
    %add3A_145 = arith.constant 0.254829586 : f32
    %add3A_146 = vector.broadcast %add3A_145 : f32 to vector<32x64xf32>
    %add3A_147 = arith.addf %add3A_146, %mul3A_144 : vector<32x64xf32>
    %mul3A_148 = arith.mulf %div3A_129, %add3A_147 : vector<32x64xf32>
    %neg3A_149 = arith.constant 0.000000e+00 : f32
    %neg3A_150 = vector.broadcast %neg3A_149 : f32 to vector<32x64xf32>
    %neg3A_151 = arith.subf %neg3A_150, %abs3A_120 : vector<32x64xf32>
    %mul3A_152 = arith.mulf %neg3A_151, %abs3A_120 : vector<32x64xf32>
    %exp3A_153 = math.exp %mul3A_152 : vector<32x64xf32>
    %mul3A_154 = arith.mulf %mul3A_148, %exp3A_153 : vector<32x64xf32>
    %sub3A_155 = arith.constant 1.000000e+00 : f32
    %sub3A_156 = vector.broadcast %sub3A_155 : f32 to vector<32x64xf32>
    %sub3A_157 = arith.subf %sub3A_156, %mul3A_154 : vector<32x64xf32>
    %mul3A_158 = arith.mulf %sign3A_119, %sub3A_157 : vector<32x64xf32>
    %add3A_159 = arith.constant 1.000000e+00 : f32
    %add3A_160 = vector.broadcast %add3A_159 : f32 to vector<32x64xf32>
    %add3A_161 = arith.addf %add3A_160, %mul3A_158 : vector<32x64xf32>
    %mul3A_162 = arith.mulf %mul3A_103, %add3A_161 : vector<32x64xf32>
    %get3A_163 = arith.constant 1 : index
    %get3A_164 = arith.constant 0 : index
    %get3A_165 = arith.constant 0 : index
    %get3A_166 = vector.load %arg3[%get3A_163, %get3A_164, %get3A_165] : memref<8x64x10xf32, #tpu.memory_space<vmem>>, vector<1x64x10xf32>
    %get3A_167 = vector.shape_cast %get3A_166 : vector<1x64x10xf32> to vector<64x10xf32>
    %dot_general3A_168 = arith.constant dense<0.000000e+00> : vector<32x10xf32>
    %dot_general3A_169 = tpu.matmul %mul3A_162, %get3A_167, %dot_general3A_168 {dimension_numbers = #tpu.dot_dimension_numbers<[1], [0], [0], [1], [0, 0, 1, 1], [], []>, transpose_lhs_hint = false} : vector<32x64xf32>, vector<64x10xf32>, vector<32x10xf32> -> vector<32x10xf32>
    %get3A_170 = arith.constant 1 : index
    %get3A_171 = arith.constant 0 : index
    %get3A_172 = vector.load %arg4[%get3A_170, %get3A_171] : memref<8x10xf32, #tpu.memory_space<vmem>>, vector<1x10xf32>
    %get3A_173 = vector.shape_cast %get3A_172 : vector<1x10xf32> to vector<10xf32>
    %broadcast_in_dim3A_174 = vector.shape_cast %get3A_173 : vector<10xf32> to vector<1x10xf32>
    %add3A_175 = vector.broadcast %broadcast_in_dim3A_174 : vector<1x10xf32> to vector<32x10xf32>
    %add3A_176 = arith.addf %dot_general3A_169, %add3A_175 : vector<32x10xf32>
    %swap3A_177 = arith.constant 1 : index
    %swap3A_178 = arith.constant 0 : index
    %swap3A_179 = arith.constant 0 : index
    %swap3A_180 = vector.load %arg5[%swap3A_177, %swap3A_178, %swap3A_179] : memref<8x32x10xf32, #tpu.memory_space<vmem>>, vector<1x32x10xf32>
    %swap3A_181 = vector.shape_cast %swap3A_180 : vector<1x32x10xf32> to vector<32x10xf32>
    %swap3A_182 = vector.shape_cast %add3A_176 : vector<32x10xf32> to vector<1x32x10xf32>
    tpu.vector_store %arg5[%swap3A_177, %swap3A_178, %swap3A_179], %swap3A_182 {strides = array<i32>} : memref<8x32x10xf32, #tpu.memory_space<vmem>>, vector<1x32x10xf32>,
    %get3A_183 = arith.constant 2 : index
    %get3A_184 = arith.constant 0 : index
    %get3A_185 = arith.constant 0 : index
    %get3A_186 = vector.load %arg1[%get3A_183, %get3A_184, %get3A_185] : memref<8x32x64xf32, #tpu.memory_space<vmem>>, vector<1x32x64xf32>
    %get3A_187 = vector.shape_cast %get3A_186 : vector<1x32x64xf32> to vector<32x64xf32>
    %dot_general3A_188 = arith.constant dense<0.000000e+00> : vector<32x64xf32>
    %dot_general3A_189 = tpu.matmul %get3A_1, %get3A_187, %dot_general3A_188 {dimension_numbers = #tpu.dot_dimension_numbers<[1], [0], [0], [1], [0, 0, 1, 1], [], []>, transpose_lhs_hint = false} : vector<32x32xf32>, vector<32x64xf32>, vector<32x64xf32> -> vector<32x64xf32>
    %get3A_190 = arith.constant 2 : index
    %get3A_191 = arith.constant 0 : index
    %get3A_192 = vector.load %arg2[%get3A_190, %get3A_191] : memref<8x64xf32, #tpu.memory_space<vmem>>, vector<1x64xf32>
    %get3A_193 = vector.shape_cast %get3A_192 : vector<1x64xf32> to vector<64xf32>
    %broadcast_in_dim3A_194 = vector.shape_cast %get3A_193 : vector<64xf32> to vector<1x64xf32>
    %add3A_195 = vector.broadcast %broadcast_in_dim3A_194 : vector<1x64xf32> to vector<32x64xf32>
    %add3A_196 = arith.addf %dot_general3A_189, %add3A_195 : vector<32x64xf32>
    %mul3A_197 = arith.constant 5.000000e-01 : f32
    %mul3A_198 = vector.broadcast %mul3A_197 : f32 to vector<32x64xf32>
    %mul3A_199 = arith.mulf %mul3A_198, %add3A_196 : vector<32x64xf32>
    %mul3A_200 = arith.constant 0.707106769 : f32
    %mul3A_201 = vector.broadcast %mul3A_200 : f32 to vector<32x64xf32>
    %mul3A_202 = arith.mulf %add3A_196, %mul3A_201 : vector<32x64xf32>
    %sign3A_203 = tpu.bitcast %mul3A_202 : vector<32x64xf32> -> vector<32x64xi32>
    %sign3A_204 = arith.constant -2147483648 : i32
    %sign3A_205 = vector.broadcast %sign3A_204 : i32 to vector<32x64xi32>
    %sign3A_206 = arith.andi %sign3A_203, %sign3A_205 : vector<32x64xi32>
    %sign3A_207 = arith.constant 1065353216 : i32
    %sign3A_208 = vector.broadcast %sign3A_207 : i32 to vector<32x64xi32>
    %sign3A_209 = arith.ori %sign3A_208, %sign3A_206 : vector<32x64xi32>
    %sign3A_210 = tpu.bitcast %sign3A_209 : vector<32x64xi32> -> vector<32x64xf32>
    %sign3A_211 = math.absf %mul3A_202 : vector<32x64xf32>
    %sign3A_212 = arith.constant 0.000000e+00 : f32
    %sign3A_213 = vector.broadcast %sign3A_212 : f32 to vector<32x64xf32>
    %sign3A_214 = arith.cmpf ogt, %sign3A_211, %sign3A_213 : vector<32x64xf32>
    %sign3A_215 = arith.select %sign3A_214, %sign3A_210, %mul3A_202 : vector<32x64xi1>, vector<32x64xf32>
    %abs3A_216 = math.absf %mul3A_202 : vector<32x64xf32>
    %mul3A_217 = arith.constant 0.327591091 : f32
    %mul3A_218 = vector.broadcast %mul3A_217 : f32 to vector<32x64xf32>
    %mul3A_219 = arith.mulf %mul3A_218, %abs3A_216 : vector<32x64xf32>
    %add3A_220 = arith.constant 1.000000e+00 : f32
    %add3A_221 = vector.broadcast %add3A_220 : f32 to vector<32x64xf32>
    %add3A_222 = arith.addf %add3A_221, %mul3A_219 : vector<32x64xf32>
    %div3A_223 = arith.constant 1.000000e+00 : f32
    %div3A_224 = vector.broadcast %div3A_223 : f32 to vector<32x64xf32>
    %div3A_225 = arith.divf %div3A_224, %add3A_222 : vector<32x64xf32>
    %mul3A_226 = arith.constant 1.06140542 : f32
    %mul3A_227 = vector.broadcast %mul3A_226 : f32 to vector<32x64xf32>
    %mul3A_228 = arith.mulf %div3A_225, %mul3A_227 : vector<32x64xf32>
    %add3A_229 = arith.constant -1.45315206 : f32
    %add3A_230 = vector.broadcast %add3A_229 : f32 to vector<32x64xf32>
    %add3A_231 = arith.addf %add3A_230, %mul3A_228 : vector<32x64xf32>
    %mul3A_232 = arith.mulf %div3A_225, %add3A_231 : vector<32x64xf32>
    %add3A_233 = arith.constant 1.42141378 : f32
    %add3A_234 = vector.broadcast %add3A_233 : f32 to vector<32x64xf32>
    %add3A_235 = arith.addf %add3A_234, %mul3A_232 : vector<32x64xf32>
    %mul3A_236 = arith.mulf %div3A_225, %add3A_235 : vector<32x64xf32>
    %add3A_237 = arith.constant -0.284496725 : f32
    %add3A_238 = vector.broadcast %add3A_237 : f32 to vector<32x64xf32>
    %add3A_239 = arith.addf %add3A_238, %mul3A_236 : vector<32x64xf32>
    %mul3A_240 = arith.mulf %div3A_225, %add3A_239 : vector<32x64xf32>
    %add3A_241 = arith.constant 0.254829586 : f32
    %add3A_242 = vector.broadcast %add3A_241 : f32 to vector<32x64xf32>
    %add3A_243 = arith.addf %add3A_242, %mul3A_240 : vector<32x64xf32>
    %mul3A_244 = arith.mulf %div3A_225, %add3A_243 : vector<32x64xf32>
    %neg3A_245 = arith.constant 0.000000e+00 : f32
    %neg3A_246 = vector.broadcast %neg3A_245 : f32 to vector<32x64xf32>
    %neg3A_247 = arith.subf %neg3A_246, %abs3A_216 : vector<32x64xf32>
    %mul3A_248 = arith.mulf %neg3A_247, %abs3A_216 : vector<32x64xf32>
    %exp3A_249 = math.exp %mul3A_248 : vector<32x64xf32>
    %mul3A_250 = arith.mulf %mul3A_244, %exp3A_249 : vector<32x64xf32>
    %sub3A_251 = arith.constant 1.000000e+00 : f32
    %sub3A_252 = vector.broadcast %sub3A_251 : f32 to vector<32x64xf32>
    %sub3A_253 = arith.subf %sub3A_252, %mul3A_250 : vector<32x64xf32>
    %mul3A_254 = arith.mulf %sign3A_215, %sub3A_253 : vector<32x64xf32>
    %add3A_255 = arith.constant 1.000000e+00 : f32
    %add3A_256 = vector.broadcast %add3A_255 : f32 to vector<32x64xf32>
    %add3A_257 = arith.addf %add3A_256, %mul3A_254 : vector<32x64xf32>
    %mul3A_258 = arith.mulf %mul3A_199, %add3A_257 : vector<32x64xf32>
    %get3A_259 = arith.constant 2 : index
    %get3A_260 = arith.constant 0 : index
    %get3A_261 = arith.constant 0 : index
    %get3A_262 = vector.load %arg3[%get3A_259, %get3A_260, %get3A_261] : memref<8x64x10xf32, #tpu.memory_space<vmem>>, vector<1x64x10xf32>
    %get3A_263 = vector.shape_cast %get3A_262 : vector<1x64x10xf32> to vector<64x10xf32>
    %dot_general3A_264 = arith.constant dense<0.000000e+00> : vector<32x10xf32>
    %dot_general3A_265 = tpu.matmul %mul3A_258, %get3A_263, %dot_general3A_264 {dimension_numbers = #tpu.dot_dimension_numbers<[1], [0], [0], [1], [0, 0, 1, 1], [], []>, transpose_lhs_hint = false} : vector<32x64xf32>, vector<64x10xf32>, vector<32x10xf32> -> vector<32x10xf32>
    %get3A_266 = arith.constant 2 : index
    %get3A_267 = arith.constant 0 : index
    %get3A_268 = vector.load %arg4[%get3A_266, %get3A_267] : memref<8x10xf32, #tpu.memory_space<vmem>>, vector<1x10xf32>
    %get3A_269 = vector.shape_cast %get3A_268 : vector<1x10xf32> to vector<10xf32>
    %broadcast_in_dim3A_270 = vector.shape_cast %get3A_269 : vector<10xf32> to vector<1x10xf32>
    %add3A_271 = vector.broadcast %broadcast_in_dim3A_270 : vector<1x10xf32> to vector<32x10xf32>
    %add3A_272 = arith.addf %dot_general3A_265, %add3A_271 : vector<32x10xf32>
    %swap3A_273 = arith.constant 2 : index
    %swap3A_274 = arith.constant 0 : index
    %swap3A_275 = arith.constant 0 : index
    %swap3A_276 = vector.load %arg5[%swap3A_273, %swap3A_274, %swap3A_275] : memref<8x32x10xf32, #tpu.memory_space<vmem>>, vector<1x32x10xf32>
    %swap3A_277 = vector.shape_cast %swap3A_276 : vector<1x32x10xf32> to vector<32x10xf32>
    %swap3A_278 = vector.shape_cast %add3A_272 : vector<32x10xf32> to vector<1x32x10xf32>
    tpu.vector_store %arg5[%swap3A_273, %swap3A_274, %swap3A_275], %swap3A_278 {strides = array<i32>} : memref<8x32x10xf32, #tpu.memory_space<vmem>>, vector<1x32x10xf32>,
    %get3A_279 = arith.constant 3 : index
    %get3A_280 = arith.constant 0 : index
    %get3A_281 = arith.constant 0 : index
    %get3A_282 = vector.load %arg1[%get3A_279, %get3A_280, %get3A_281] : memref<8x32x64xf32, #tpu.memory_space<vmem>>, vector<1x32x64xf32>
    %get3A_283 = vector.shape_cast %get3A_282 : vector<1x32x64xf32> to vector<32x64xf32>
    %dot_general3A_284 = arith.constant dense<0.000000e+00> : vector<32x64xf32>
    %dot_general3A_285 = tpu.matmul %get3A_1, %get3A_283, %dot_general3A_284 {dimension_numbers = #tpu.dot_dimension_numbers<[1], [0], [0], [1], [0, 0, 1, 1], [], []>, transpose_lhs_hint = false} : vector<32x32xf32>, vector<32x64xf32>, vector<32x64xf32> -> vector<32x64xf32>
    %get3A_286 = arith.constant 3 : index
    %get3A_287 = arith.constant 0 : index
    %get3A_288 = vector.load %arg2[%get3A_286, %get3A_287] : memref<8x64xf32, #tpu.memory_space<vmem>>, vector<1x64xf32>
    %get3A_289 = vector.shape_cast %get3A_288 : vector<1x64xf32> to vector<64xf32>
    %broadcast_in_dim3A_290 = vector.shape_cast %get3A_289 : vector<64xf32> to vector<1x64xf32>
    %add3A_291 = vector.broadcast %broadcast_in_dim3A_290 : vector<1x64xf32> to vector<32x64xf32>
    %add3A_292 = arith.addf %dot_general3A_285, %add3A_291 : vector<32x64xf32>
    %mul3A_293 = arith.constant 5.000000e-01 : f32
    %mul3A_294 = vector.broadcast %mul3A_293 : f32 to vector<32x64xf32>
    %mul3A_295 = arith.mulf %mul3A_294, %add3A_292 : vector<32x64xf32>
    %mul3A_296 = arith.constant 0.707106769 : f32
    %mul3A_297 = vector.broadcast %mul3A_296 : f32 to vector<32x64xf32>
    %mul3A_298 = arith.mulf %add3A_292, %mul3A_297 : vector<32x64xf32>
    %sign3A_299 = tpu.bitcast %mul3A_298 : vector<32x64xf32> -> vector<32x64xi32>
    %sign3A_300 = arith.constant -2147483648 : i32
    %sign3A_301 = vector.broadcast %sign3A_300 : i32 to vector<32x64xi32>
    %sign3A_302 = arith.andi %sign3A_299, %sign3A_301 : vector<32x64xi32>
    %sign3A_303 = arith.constant 1065353216 : i32
    %sign3A_304 = vector.broadcast %sign3A_303 : i32 to vector<32x64xi32>
    %sign3A_305 = arith.ori %sign3A_304, %sign3A_302 : vector<32x64xi32>
    %sign3A_306 = tpu.bitcast %sign3A_305 : vector<32x64xi32> -> vector<32x64xf32>
    %sign3A_307 = math.absf %mul3A_298 : vector<32x64xf32>
    %sign3A_308 = arith.constant 0.000000e+00 : f32
    %sign3A_309 = vector.broadcast %sign3A_308 : f32 to vector<32x64xf32>
    %sign3A_310 = arith.cmpf ogt, %sign3A_307, %sign3A_309 : vector<32x64xf32>
    %sign3A_311 = arith.select %sign3A_310, %sign3A_306, %mul3A_298 : vector<32x64xi1>, vector<32x64xf32>
    %abs3A_312 = math.absf %mul3A_298 : vector<32x64xf32>
    %mul3A_313 = arith.constant 0.327591091 : f32
    %mul3A_314 = vector.broadcast %mul3A_313 : f32 to vector<32x64xf32>
    %mul3A_315 = arith.mulf %mul3A_314, %abs3A_312 : vector<32x64xf32>
    %add3A_316 = arith.constant 1.000000e+00 : f32
    %add3A_317 = vector.broadcast %add3A_316 : f32 to vector<32x64xf32>
    %add3A_318 = arith.addf %add3A_317, %mul3A_315 : vector<32x64xf32>
    %div3A_319 = arith.constant 1.000000e+00 : f32
    %div3A_320 = vector.broadcast %div3A_319 : f32 to vector<32x64xf32>
    %div3A_321 = arith.divf %div3A_320, %add3A_318 : vector<32x64xf32>
    %mul3A_322 = arith.constant 1.06140542 : f32
    %mul3A_323 = vector.broadcast %mul3A_322 : f32 to vector<32x64xf32>
    %mul3A_324 = arith.mulf %div3A_321, %mul3A_323 : vector<32x64xf32>
    %add3A_325 = arith.constant -1.45315206 : f32
    %add3A_326 = vector.broadcast %add3A_325 : f32 to vector<32x64xf32>
    %add3A_327 = arith.addf %add3A_326, %mul3A_324 : vector<32x64xf32>
    %mul3A_328 = arith.mulf %div3A_321, %add3A_327 : vector<32x64xf32>
    %add3A_329 = arith.constant 1.42141378 : f32
    %add3A_330 = vector.broadcast %add3A_329 : f32 to vector<32x64xf32>
    %add3A_331 = arith.addf %add3A_330, %mul3A_328 : vector<32x64xf32>
    %mul3A_332 = arith.mulf %div3A_321, %add3A_331 : vector<32x64xf32>
    %add3A_333 = arith.constant -0.284496725 : f32
    %add3A_334 = vector.broadcast %add3A_333 : f32 to vector<32x64xf32>
    %add3A_335 = arith.addf %add3A_334, %mul3A_332 : vector<32x64xf32>
    %mul3A_336 = arith.mulf %div3A_321, %add3A_335 : vector<32x64xf32>
    %add3A_337 = arith.constant 0.254829586 : f32
    %add3A_338 = vector.broadcast %add3A_337 : f32 to vector<32x64xf32>
    %add3A_339 = arith.addf %add3A_338, %mul3A_336 : vector<32x64xf32>
    %mul3A_340 = arith.mulf %div3A_321, %add3A_339 : vector<32x64xf32>
    %neg3A_341 = arith.constant 0.000000e+00 : f32
    %neg3A_342 = vector.broadcast %neg3A_341 : f32 to vector<32x64xf32>
    %neg3A_343 = arith.subf %neg3A_342, %abs3A_312 : vector<32x64xf32>
    %mul3A_344 = arith.mulf %neg3A_343, %abs3A_312 : vector<32x64xf32>
    %exp3A_345 = math.exp %mul3A_344 : vector<32x64xf32>
    %mul3A_346 = arith.mulf %mul3A_340, %exp3A_345 : vector<32x64xf32>
    %sub3A_347 = arith.constant 1.000000e+00 : f32
    %sub3A_348 = vector.broadcast %sub3A_347 : f32 to vector<32x64xf32>
    %sub3A_349 = arith.subf %sub3A_348, %mul3A_346 : vector<32x64xf32>
    %mul3A_350 = arith.mulf %sign3A_311, %sub3A_349 : vector<32x64xf32>
    %add3A_351 = arith.constant 1.000000e+00 : f32
    %add3A_352 = vector.broadcast %add3A_351 : f32 to vector<32x64xf32>
    %add3A_353 = arith.addf %add3A_352, %mul3A_350 : vector<32x64xf32>
    %mul3A_354 = arith.mulf %mul3A_295, %add3A_353 : vector<32x64xf32>
    %get3A_355 = arith.constant 3 : index
    %get3A_356 = arith.constant 0 : index
    %get3A_357 = arith.constant 0 : index
    %get3A_358 = vector.load %arg3[%get3A_355, %get3A_356, %get3A_357] : memref<8x64x10xf32, #tpu.memory_space<vmem>>, vector<1x64x10xf32>
    %get3A_359 = vector.shape_cast %get3A_358 : vector<1x64x10xf32> to vector<64x10xf32>
    %dot_general3A_360 = arith.constant dense<0.000000e+00> : vector<32x10xf32>
    %dot_general3A_361 = tpu.matmul %mul3A_354, %get3A_359, %dot_general3A_360 {dimension_numbers = #tpu.dot_dimension_numbers<[1], [0], [0], [1], [0, 0, 1, 1], [], []>, transpose_lhs_hint = false} : vector<32x64xf32>, vector<64x10xf32>, vector<32x10xf32> -> vector<32x10xf32>
    %get3A_362 = arith.constant 3 : index
    %get3A_363 = arith.constant 0 : index
    %get3A_364 = vector.load %arg4[%get3A_362, %get3A_363] : memref<8x10xf32, #tpu.memory_space<vmem>>, vector<1x10xf32>
    %get3A_365 = vector.shape_cast %get3A_364 : vector<1x10xf32> to vector<10xf32>
    %broadcast_in_dim3A_366 = vector.shape_cast %get3A_365 : vector<10xf32> to vector<1x10xf32>
    %add3A_367 = vector.broadcast %broadcast_in_dim3A_366 : vector<1x10xf32> to vector<32x10xf32>
    %add3A_368 = arith.addf %dot_general3A_361, %add3A_367 : vector<32x10xf32>
    %swap3A_369 = arith.constant 3 : index
    %swap3A_370 = arith.constant 0 : index
    %swap3A_371 = arith.constant 0 : index
    %swap3A_372 = vector.load %arg5[%swap3A_369, %swap3A_370, %swap3A_371] : memref<8x32x10xf32, #tpu.memory_space<vmem>>, vector<1x32x10xf32>
    %swap3A_373 = vector.shape_cast %swap3A_372 : vector<1x32x10xf32> to vector<32x10xf32>
    %swap3A_374 = vector.shape_cast %add3A_368 : vector<32x10xf32> to vector<1x32x10xf32>
    tpu.vector_store %arg5[%swap3A_369, %swap3A_370, %swap3A_371], %swap3A_374 {strides = array<i32>} : memref<8x32x10xf32, #tpu.memory_space<vmem>>, vector<1x32x10xf32>,
    %get3A_375 = arith.constant 4 : index
    %get3A_376 = arith.constant 0 : index
    %get3A_377 = arith.constant 0 : index
    %get3A_378 = vector.load %arg1[%get3A_375, %get3A_376, %get3A_377] : memref<8x32x64xf32, #tpu.memory_space<vmem>>, vector<1x32x64xf32>
    %get3A_379 = vector.shape_cast %get3A_378 : vector<1x32x64xf32> to vector<32x64xf32>
    %dot_general3A_380 = arith.constant dense<0.000000e+00> : vector<32x64xf32>
    %dot_general3A_381 = tpu.matmul %get3A_1, %get3A_379, %dot_general3A_380 {dimension_numbers = #tpu.dot_dimension_numbers<[1], [0], [0], [1], [0, 0, 1, 1], [], []>, transpose_lhs_hint = false} : vector<32x32xf32>, vector<32x64xf32>, vector<32x64xf32> -> vector<32x64xf32>
    %get3A_382 = arith.constant 4 : index
    %get3A_383 = arith.constant 0 : index
    %get3A_384 = vector.load %arg2[%get3A_382, %get3A_383] : memref<8x64xf32, #tpu.memory_space<vmem>>, vector<1x64xf32>
    %get3A_385 = vector.shape_cast %get3A_384 : vector<1x64xf32> to vector<64xf32>
    %broadcast_in_dim3A_386 = vector.shape_cast %get3A_385 : vector<64xf32> to vector<1x64xf32>
    %add3A_387 = vector.broadcast %broadcast_in_dim3A_386 : vector<1x64xf32> to vector<32x64xf32>
    %add3A_388 = arith.addf %dot_general3A_381, %add3A_387 : vector<32x64xf32>
    %mul3A_389 = arith.constant 5.000000e-01 : f32
    %mul3A_390 = vector.broadcast %mul3A_389 : f32 to vector<32x64xf32>
    %mul3A_391 = arith.mulf %mul3A_390, %add3A_388 : vector<32x64xf32>
    %mul3A_392 = arith.constant 0.707106769 : f32
    %mul3A_393 = vector.broadcast %mul3A_392 : f32 to vector<32x64xf32>
    %mul3A_394 = arith.mulf %add3A_388, %mul3A_393 : vector<32x64xf32>
    %sign3A_395 = tpu.bitcast %mul3A_394 : vector<32x64xf32> -> vector<32x64xi32>
    %sign3A_396 = arith.constant -2147483648 : i32
    %sign3A_397 = vector.broadcast %sign3A_396 : i32 to vector<32x64xi32>
    %sign3A_398 = arith.andi %sign3A_395, %sign3A_397 : vector<32x64xi32>
    %sign3A_399 = arith.constant 1065353216 : i32
    %sign3A_400 = vector.broadcast %sign3A_399 : i32 to vector<32x64xi32>
    %sign3A_401 = arith.ori %sign3A_400, %sign3A_398 : vector<32x64xi32>
    %sign3A_402 = tpu.bitcast %sign3A_401 : vector<32x64xi32> -> vector<32x64xf32>
    %sign3A_403 = math.absf %mul3A_394 : vector<32x64xf32>
    %sign3A_404 = arith.constant 0.000000e+00 : f32
    %sign3A_405 = vector.broadcast %sign3A_404 : f32 to vector<32x64xf32>
    %sign3A_406 = arith.cmpf ogt, %sign3A_403, %sign3A_405 : vector<32x64xf32>
    %sign3A_407 = arith.select %sign3A_406, %sign3A_402, %mul3A_394 : vector<32x64xi1>, vector<32x64xf32>
    %abs3A_408 = math.absf %mul3A_394 : vector<32x64xf32>
    %mul3A_409 = arith.constant 0.327591091 : f32
    %mul3A_410 = vector.broadcast %mul3A_409 : f32 to vector<32x64xf32>
    %mul3A_411 = arith.mulf %mul3A_410, %abs3A_408 : vector<32x64xf32>
    %add3A_412 = arith.constant 1.000000e+00 : f32
    %add3A_413 = vector.broadcast %add3A_412 : f32 to vector<32x64xf32>
    %add3A_414 = arith.addf %add3A_413, %mul3A_411 : vector<32x64xf32>
    %div3A_415 = arith.constant 1.000000e+00 : f32
    %div3A_416 = vector.broadcast %div3A_415 : f32 to vector<32x64xf32>
    %div3A_417 = arith.divf %div3A_416, %add3A_414 : vector<32x64xf32>
    %mul3A_418 = arith.constant 1.06140542 : f32
    %mul3A_419 = vector.broadcast %mul3A_418 : f32 to vector<32x64xf32>
    %mul3A_420 = arith.mulf %div3A_417, %mul3A_419 : vector<32x64xf32>
    %add3A_421 = arith.constant -1.45315206 : f32
    %add3A_422 = vector.broadcast %add3A_421 : f32 to vector<32x64xf32>
    %add3A_423 = arith.addf %add3A_422, %mul3A_420 : vector<32x64xf32>
    %mul3A_424 = arith.mulf %div3A_417, %add3A_423 : vector<32x64xf32>
    %add3A_425 = arith.constant 1.42141378 : f32
    %add3A_426 = vector.broadcast %add3A_425 : f32 to vector<32x64xf32>
    %add3A_427 = arith.addf %add3A_426, %mul3A_424 : vector<32x64xf32>
    %mul3A_428 = arith.mulf %div3A_417, %add3A_427 : vector<32x64xf32>
    %add3A_429 = arith.constant -0.284496725 : f32
    %add3A_430 = vector.broadcast %add3A_429 : f32 to vector<32x64xf32>
    %add3A_431 = arith.addf %add3A_430, %mul3A_428 : vector<32x64xf32>
    %mul3A_432 = arith.mulf %div3A_417, %add3A_431 : vector<32x64xf32>
    %add3A_433 = arith.constant 0.254829586 : f32
    %add3A_434 = vector.broadcast %add3A_433 : f32 to vector<32x64xf32>
    %add3A_435 = arith.addf %add3A_434, %mul3A_432 : vector<32x64xf32>
    %mul3A_436 = arith.mulf %div3A_417, %add3A_435 : vector<32x64xf32>
    %neg3A_437 = arith.constant 0.000000e+00 : f32
    %neg3A_438 = vector.broadcast %neg3A_437 : f32 to vector<32x64xf32>
    %neg3A_439 = arith.subf %neg3A_438, %abs3A_408 : vector<32x64xf32>
    %mul3A_440 = arith.mulf %neg3A_439, %abs3A_408 : vector<32x64xf32>
    %exp3A_441 = math.exp %mul3A_440 : vector<32x64xf32>
    %mul3A_442 = arith.mulf %mul3A_436, %exp3A_441 : vector<32x64xf32>
    %sub3A_443 = arith.constant 1.000000e+00 : f32
    %sub3A_444 = vector.broadcast %sub3A_443 : f32 to vector<32x64xf32>
    %sub3A_445 = arith.subf %sub3A_444, %mul3A_442 : vector<32x64xf32>
    %mul3A_446 = arith.mulf %sign3A_407, %sub3A_445 : vector<32x64xf32>
    %add3A_447 = arith.constant 1.000000e+00 : f32
    %add3A_448 = vector.broadcast %add3A_447 : f32 to vector<32x64xf32>
    %add3A_449 = arith.addf %add3A_448, %mul3A_446 : vector<32x64xf32>
    %mul3A_450 = arith.mulf %mul3A_391, %add3A_449 : vector<32x64xf32>
    %get3A_451 = arith.constant 4 : index
    %get3A_452 = arith.constant 0 : index
    %get3A_453 = arith.constant 0 : index
    %get3A_454 = vector.load %arg3[%get3A_451, %get3A_452, %get3A_453] : memref<8x64x10xf32, #tpu.memory_space<vmem>>, vector<1x64x10xf32>
    %get3A_455 = vector.shape_cast %get3A_454 : vector<1x64x10xf32> to vector<64x10xf32>
    %dot_general3A_456 = arith.constant dense<0.000000e+00> : vector<32x10xf32>
    %dot_general3A_457 = tpu.matmul %mul3A_450, %get3A_455, %dot_general3A_456 {dimension_numbers = #tpu.dot_dimension_numbers<[1], [0], [0], [1], [0, 0, 1, 1], [], []>, transpose_lhs_hint = false} : vector<32x64xf32>, vector<64x10xf32>, vector<32x10xf32> -> vector<32x10xf32>
    %get3A_458 = arith.constant 4 : index
    %get3A_459 = arith.constant 0 : index
    %get3A_460 = vector.load %arg4[%get3A_458, %get3A_459] : memref<8x10xf32, #tpu.memory_space<vmem>>, vector<1x10xf32>
    %get3A_461 = vector.shape_cast %get3A_460 : vector<1x10xf32> to vector<10xf32>
    %broadcast_in_dim3A_462 = vector.shape_cast %get3A_461 : vector<10xf32> to vector<1x10xf32>
    %add3A_463 = vector.broadcast %broadcast_in_dim3A_462 : vector<1x10xf32> to vector<32x10xf32>
    %add3A_464 = arith.addf %dot_general3A_457, %add3A_463 : vector<32x10xf32>
    %swap3A_465 = arith.constant 4 : index
    %swap3A_466 = arith.constant 0 : index
    %swap3A_467 = arith.constant 0 : index
    %swap3A_468 = vector.load %arg5[%swap3A_465, %swap3A_466, %swap3A_467] : memref<8x32x10xf32, #tpu.memory_space<vmem>>, vector<1x32x10xf32>
    %swap3A_469 = vector.shape_cast %swap3A_468 : vector<1x32x10xf32> to vector<32x10xf32>
    %swap3A_470 = vector.shape_cast %add3A_464 : vector<32x10xf32> to vector<1x32x10xf32>
    tpu.vector_store %arg5[%swap3A_465, %swap3A_466, %swap3A_467], %swap3A_470 {strides = array<i32>} : memref<8x32x10xf32, #tpu.memory_space<vmem>>, vector<1x32x10xf32>,
    %get3A_471 = arith.constant 5 : index
    %get3A_472 = arith.constant 0 : index
    %get3A_473 = arith.constant 0 : index
    %get3A_474 = vector.load %arg1[%get3A_471, %get3A_472, %get3A_473] : memref<8x32x64xf32, #tpu.memory_space<vmem>>, vector<1x32x64xf32>
    %get3A_475 = vector.shape_cast %get3A_474 : vector<1x32x64xf32> to vector<32x64xf32>
    %dot_general3A_476 = arith.constant dense<0.000000e+00> : vector<32x64xf32>
    %dot_general3A_477 = tpu.matmul %get3A_1, %get3A_475, %dot_general3A_476 {dimension_numbers = #tpu.dot_dimension_numbers<[1], [0], [0], [1], [0, 0, 1, 1], [], []>, transpose_lhs_hint = false} : vector<32x32xf32>, vector<32x64xf32>, vector<32x64xf32> -> vector<32x64xf32>
    %get3A_478 = arith.constant 5 : index
    %get3A_479 = arith.constant 0 : index
    %get3A_480 = vector.load %arg2[%get3A_478, %get3A_479] : memref<8x64xf32, #tpu.memory_space<vmem>>, vector<1x64xf32>
    %get3A_481 = vector.shape_cast %get3A_480 : vector<1x64xf32> to vector<64xf32>
    %broadcast_in_dim3A_482 = vector.shape_cast %get3A_481 : vector<64xf32> to vector<1x64xf32>
    %add3A_483 = vector.broadcast %broadcast_in_dim3A_482 : vector<1x64xf32> to vector<32x64xf32>
    %add3A_484 = arith.addf %dot_general3A_477, %add3A_483 : vector<32x64xf32>
    %mul3A_485 = arith.constant 5.000000e-01 : f32
    %mul3A_486 = vector.broadcast %mul3A_485 : f32 to vector<32x64xf32>
    %mul3A_487 = arith.mulf %mul3A_486, %add3A_484 : vector<32x64xf32>
    %mul3A_488 = arith.constant 0.707106769 : f32
    %mul3A_489 = vector.broadcast %mul3A_488 : f32 to vector<32x64xf32>
    %mul3A_490 = arith.mulf %add3A_484, %mul3A_489 : vector<32x64xf32>
    %sign3A_491 = tpu.bitcast %mul3A_490 : vector<32x64xf32> -> vector<32x64xi32>
    %sign3A_492 = arith.constant -2147483648 : i32
    %sign3A_493 = vector.broadcast %sign3A_492 : i32 to vector<32x64xi32>
    %sign3A_494 = arith.andi %sign3A_491, %sign3A_493 : vector<32x64xi32>
    %sign3A_495 = arith.constant 1065353216 : i32
    %sign3A_496 = vector.broadcast %sign3A_495 : i32 to vector<32x64xi32>
    %sign3A_497 = arith.ori %sign3A_496, %sign3A_494 : vector<32x64xi32>
    %sign3A_498 = tpu.bitcast %sign3A_497 : vector<32x64xi32> -> vector<32x64xf32>
    %sign3A_499 = math.absf %mul3A_490 : vector<32x64xf32>
    %sign3A_500 = arith.constant 0.000000e+00 : f32
    %sign3A_501 = vector.broadcast %sign3A_500 : f32 to vector<32x64xf32>
    %sign3A_502 = arith.cmpf ogt, %sign3A_499, %sign3A_501 : vector<32x64xf32>
    %sign3A_503 = arith.select %sign3A_502, %sign3A_498, %mul3A_490 : vector<32x64xi1>, vector<32x64xf32>
    %abs3A_504 = math.absf %mul3A_490 : vector<32x64xf32>
    %mul3A_505 = arith.constant 0.327591091 : f32
    %mul3A_506 = vector.broadcast %mul3A_505 : f32 to vector<32x64xf32>
    %mul3A_507 = arith.mulf %mul3A_506, %abs3A_504 : vector<32x64xf32>
    %add3A_508 = arith.constant 1.000000e+00 : f32
    %add3A_509 = vector.broadcast %add3A_508 : f32 to vector<32x64xf32>
    %add3A_510 = arith.addf %add3A_509, %mul3A_507 : vector<32x64xf32>
    %div3A_511 = arith.constant 1.000000e+00 : f32
    %div3A_512 = vector.broadcast %div3A_511 : f32 to vector<32x64xf32>
    %div3A_513 = arith.divf %div3A_512, %add3A_510 : vector<32x64xf32>
    %mul3A_514 = arith.constant 1.06140542 : f32
    %mul3A_515 = vector.broadcast %mul3A_514 : f32 to vector<32x64xf32>
    %mul3A_516 = arith.mulf %div3A_513, %mul3A_515 : vector<32x64xf32>
    %add3A_517 = arith.constant -1.45315206 : f32
    %add3A_518 = vector.broadcast %add3A_517 : f32 to vector<32x64xf32>
    %add3A_519 = arith.addf %add3A_518, %mul3A_516 : vector<32x64xf32>
    %mul3A_520 = arith.mulf %div3A_513, %add3A_519 : vector<32x64xf32>
    %add3A_521 = arith.constant 1.42141378 : f32
    %add3A_522 = vector.broadcast %add3A_521 : f32 to vector<32x64xf32>
    %add3A_523 = arith.addf %add3A_522, %mul3A_520 : vector<32x64xf32>
    %mul3A_524 = arith.mulf %div3A_513, %add3A_523 : vector<32x64xf32>
    %add3A_525 = arith.constant -0.284496725 : f32
    %add3A_526 = vector.broadcast %add3A_525 : f32 to vector<32x64xf32>
    %add3A_527 = arith.addf %add3A_526, %mul3A_524 : vector<32x64xf32>
    %mul3A_528 = arith.mulf %div3A_513, %add3A_527 : vector<32x64xf32>
    %add3A_529 = arith.constant 0.254829586 : f32
    %add3A_530 = vector.broadcast %add3A_529 : f32 to vector<32x64xf32>
    %add3A_531 = arith.addf %add3A_530, %mul3A_528 : vector<32x64xf32>
    %mul3A_532 = arith.mulf %div3A_513, %add3A_531 : vector<32x64xf32>
    %neg3A_533 = arith.constant 0.000000e+00 : f32
    %neg3A_534 = vector.broadcast %neg3A_533 : f32 to vector<32x64xf32>
    %neg3A_535 = arith.subf %neg3A_534, %abs3A_504 : vector<32x64xf32>
    %mul3A_536 = arith.mulf %neg3A_535, %abs3A_504 : vector<32x64xf32>
    %exp3A_537 = math.exp %mul3A_536 : vector<32x64xf32>
    %mul3A_538 = arith.mulf %mul3A_532, %exp3A_537 : vector<32x64xf32>
    %sub3A_539 = arith.constant 1.000000e+00 : f32
    %sub3A_540 = vector.broadcast %sub3A_539 : f32 to vector<32x64xf32>
    %sub3A_541 = arith.subf %sub3A_540, %mul3A_538 : vector<32x64xf32>
    %mul3A_542 = arith.mulf %sign3A_503, %sub3A_541 : vector<32x64xf32>
    %add3A_543 = arith.constant 1.000000e+00 : f32
    %add3A_544 = vector.broadcast %add3A_543 : f32 to vector<32x64xf32>
    %add3A_545 = arith.addf %add3A_544, %mul3A_542 : vector<32x64xf32>
    %mul3A_546 = arith.mulf %mul3A_487, %add3A_545 : vector<32x64xf32>
    %get3A_547 = arith.constant 5 : index
    %get3A_548 = arith.constant 0 : index
    %get3A_549 = arith.constant 0 : index
    %get3A_550 = vector.load %arg3[%get3A_547, %get3A_548, %get3A_549] : memref<8x64x10xf32, #tpu.memory_space<vmem>>, vector<1x64x10xf32>
    %get3A_551 = vector.shape_cast %get3A_550 : vector<1x64x10xf32> to vector<64x10xf32>
    %dot_general3A_552 = arith.constant dense<0.000000e+00> : vector<32x10xf32>
    %dot_general3A_553 = tpu.matmul %mul3A_546, %get3A_551, %dot_general3A_552 {dimension_numbers = #tpu.dot_dimension_numbers<[1], [0], [0], [1], [0, 0, 1, 1], [], []>, transpose_lhs_hint = false} : vector<32x64xf32>, vector<64x10xf32>, vector<32x10xf32> -> vector<32x10xf32>
    %get3A_554 = arith.constant 5 : index
    %get3A_555 = arith.constant 0 : index
    %get3A_556 = vector.load %arg4[%get3A_554, %get3A_555] : memref<8x10xf32, #tpu.memory_space<vmem>>, vector<1x10xf32>
    %get3A_557 = vector.shape_cast %get3A_556 : vector<1x10xf32> to vector<10xf32>
    %broadcast_in_dim3A_558 = vector.shape_cast %get3A_557 : vector<10xf32> to vector<1x10xf32>
    %add3A_559 = vector.broadcast %broadcast_in_dim3A_558 : vector<1x10xf32> to vector<32x10xf32>
    %add3A_560 = arith.addf %dot_general3A_553, %add3A_559 : vector<32x10xf32>
    %swap3A_561 = arith.constant 5 : index
    %swap3A_562 = arith.constant 0 : index
    %swap3A_563 = arith.constant 0 : index
    %swap3A_564 = vector.load %arg5[%swap3A_561, %swap3A_562, %swap3A_563] : memref<8x32x10xf32, #tpu.memory_space<vmem>>, vector<1x32x10xf32>
    %swap3A_565 = vector.shape_cast %swap3A_564 : vector<1x32x10xf32> to vector<32x10xf32>
    %swap3A_566 = vector.shape_cast %add3A_560 : vector<32x10xf32> to vector<1x32x10xf32>
    tpu.vector_store %arg5[%swap3A_561, %swap3A_562, %swap3A_563], %swap3A_566 {strides = array<i32>} : memref<8x32x10xf32, #tpu.memory_space<vmem>>, vector<1x32x10xf32>,
    %get3A_567 = arith.constant 6 : index
    %get3A_568 = arith.constant 0 : index
    %get3A_569 = arith.constant 0 : index
    %get3A_570 = vector.load %arg1[%get3A_567, %get3A_568, %get3A_569] : memref<8x32x64xf32, #tpu.memory_space<vmem>>, vector<1x32x64xf32>
    %get3A_571 = vector.shape_cast %get3A_570 : vector<1x32x64xf32> to vector<32x64xf32>
    %dot_general3A_572 = arith.constant dense<0.000000e+00> : vector<32x64xf32>
    %dot_general3A_573 = tpu.matmul %get3A_1, %get3A_571, %dot_general3A_572 {dimension_numbers = #tpu.dot_dimension_numbers<[1], [0], [0], [1], [0, 0, 1, 1], [], []>, transpose_lhs_hint = false} : vector<32x32xf32>, vector<32x64xf32>, vector<32x64xf32> -> vector<32x64xf32>
    %get3A_574 = arith.constant 6 : index
    %get3A_575 = arith.constant 0 : index
    %get3A_576 = vector.load %arg2[%get3A_574, %get3A_575] : memref<8x64xf32, #tpu.memory_space<vmem>>, vector<1x64xf32>
    %get3A_577 = vector.shape_cast %get3A_576 : vector<1x64xf32> to vector<64xf32>
    %broadcast_in_dim3A_578 = vector.shape_cast %get3A_577 : vector<64xf32> to vector<1x64xf32>
    %add3A_579 = vector.broadcast %broadcast_in_dim3A_578 : vector<1x64xf32> to vector<32x64xf32>
    %add3A_580 = arith.addf %dot_general3A_573, %add3A_579 : vector<32x64xf32>
    %mul3A_581 = arith.constant 5.000000e-01 : f32
    %mul3A_582 = vector.broadcast %mul3A_581 : f32 to vector<32x64xf32>
    %mul3A_583 = arith.mulf %mul3A_582, %add3A_580 : vector<32x64xf32>
    %mul3A_584 = arith.constant 0.707106769 : f32
    %mul3A_585 = vector.broadcast %mul3A_584 : f32 to vector<32x64xf32>
    %mul3A_586 = arith.mulf %add3A_580, %mul3A_585 : vector<32x64xf32>
    %sign3A_587 = tpu.bitcast %mul3A_586 : vector<32x64xf32> -> vector<32x64xi32>
    %sign3A_588 = arith.constant -2147483648 : i32
    %sign3A_589 = vector.broadcast %sign3A_588 : i32 to vector<32x64xi32>
    %sign3A_590 = arith.andi %sign3A_587, %sign3A_589 : vector<32x64xi32>
    %sign3A_591 = arith.constant 1065353216 : i32
    %sign3A_592 = vector.broadcast %sign3A_591 : i32 to vector<32x64xi32>
    %sign3A_593 = arith.ori %sign3A_592, %sign3A_590 : vector<32x64xi32>
    %sign3A_594 = tpu.bitcast %sign3A_593 : vector<32x64xi32> -> vector<32x64xf32>
    %sign3A_595 = math.absf %mul3A_586 : vector<32x64xf32>
    %sign3A_596 = arith.constant 0.000000e+00 : f32
    %sign3A_597 = vector.broadcast %sign3A_596 : f32 to vector<32x64xf32>
    %sign3A_598 = arith.cmpf ogt, %sign3A_595, %sign3A_597 : vector<32x64xf32>
    %sign3A_599 = arith.select %sign3A_598, %sign3A_594, %mul3A_586 : vector<32x64xi1>, vector<32x64xf32>
    %abs3A_600 = math.absf %mul3A_586 : vector<32x64xf32>
    %mul3A_601 = arith.constant 0.327591091 : f32
    %mul3A_602 = vector.broadcast %mul3A_601 : f32 to vector<32x64xf32>
    %mul3A_603 = arith.mulf %mul3A_602, %abs3A_600 : vector<32x64xf32>
    %add3A_604 = arith.constant 1.000000e+00 : f32
    %add3A_605 = vector.broadcast %add3A_604 : f32 to vector<32x64xf32>
    %add3A_606 = arith.addf %add3A_605, %mul3A_603 : vector<32x64xf32>
    %div3A_607 = arith.constant 1.000000e+00 : f32
    %div3A_608 = vector.broadcast %div3A_607 : f32 to vector<32x64xf32>
    %div3A_609 = arith.divf %div3A_608, %add3A_606 : vector<32x64xf32>
    %mul3A_610 = arith.constant 1.06140542 : f32
    %mul3A_611 = vector.broadcast %mul3A_610 : f32 to vector<32x64xf32>
    %mul3A_612 = arith.mulf %div3A_609, %mul3A_611 : vector<32x64xf32>
    %add3A_613 = arith.constant -1.45315206 : f32
    %add3A_614 = vector.broadcast %add3A_613 : f32 to vector<32x64xf32>
    %add3A_615 = arith.addf %add3A_614, %mul3A_612 : vector<32x64xf32>
    %mul3A_616 = arith.mulf %div3A_609, %add3A_615 : vector<32x64xf32>
    %add3A_617 = arith.constant 1.42141378 : f32
    %add3A_618 = vector.broadcast %add3A_617 : f32 to vector<32x64xf32>
    %add3A_619 = arith.addf %add3A_618, %mul3A_616 : vector<32x64xf32>
    %mul3A_620 = arith.mulf %div3A_609, %add3A_619 : vector<32x64xf32>
    %add3A_621 = arith.constant -0.284496725 : f32
    %add3A_622 = vector.broadcast %add3A_621 : f32 to vector<32x64xf32>
    %add3A_623 = arith.addf %add3A_622, %mul3A_620 : vector<32x64xf32>
    %mul3A_624 = arith.mulf %div3A_609, %add3A_623 : vector<32x64xf32>
    %add3A_625 = arith.constant 0.254829586 : f32
    %add3A_626 = vector.broadcast %add3A_625 : f32 to vector<32x64xf32>
    %add3A_627 = arith.addf %add3A_626, %mul3A_624 : vector<32x64xf32>
    %mul3A_628 = arith.mulf %div3A_609, %add3A_627 : vector<32x64xf32>
    %neg3A_629 = arith.constant 0.000000e+00 : f32
    %neg3A_630 = vector.broadcast %neg3A_629 : f32 to vector<32x64xf32>
    %neg3A_631 = arith.subf %neg3A_630, %abs3A_600 : vector<32x64xf32>
    %mul3A_632 = arith.mulf %neg3A_631, %abs3A_600 : vector<32x64xf32>
    %exp3A_633 = math.exp %mul3A_632 : vector<32x64xf32>
    %mul3A_634 = arith.mulf %mul3A_628, %exp3A_633 : vector<32x64xf32>
    %sub3A_635 = arith.constant 1.000000e+00 : f32
    %sub3A_636 = vector.broadcast %sub3A_635 : f32 to vector<32x64xf32>
    %sub3A_637 = arith.subf %sub3A_636, %mul3A_634 : vector<32x64xf32>
    %mul3A_638 = arith.mulf %sign3A_599, %sub3A_637 : vector<32x64xf32>
    %add3A_639 = arith.constant 1.000000e+00 : f32
    %add3A_640 = vector.broadcast %add3A_639 : f32 to vector<32x64xf32>
    %add3A_641 = arith.addf %add3A_640, %mul3A_638 : vector<32x64xf32>
    %mul3A_642 = arith.mulf %mul3A_583, %add3A_641 : vector<32x64xf32>
    %get3A_643 = arith.constant 6 : index
    %get3A_644 = arith.constant 0 : index
    %get3A_645 = arith.constant 0 : index
    %get3A_646 = vector.load %arg3[%get3A_643, %get3A_644, %get3A_645] : memref<8x64x10xf32, #tpu.memory_space<vmem>>, vector<1x64x10xf32>
    %get3A_647 = vector.shape_cast %get3A_646 : vector<1x64x10xf32> to vector<64x10xf32>
    %dot_general3A_648 = arith.constant dense<0.000000e+00> : vector<32x10xf32>
    %dot_general3A_649 = tpu.matmul %mul3A_642, %get3A_647, %dot_general3A_648 {dimension_numbers = #tpu.dot_dimension_numbers<[1], [0], [0], [1], [0, 0, 1, 1], [], []>, transpose_lhs_hint = false} : vector<32x64xf32>, vector<64x10xf32>, vector<32x10xf32> -> vector<32x10xf32>
    %get3A_650 = arith.constant 6 : index
    %get3A_651 = arith.constant 0 : index
    %get3A_652 = vector.load %arg4[%get3A_650, %get3A_651] : memref<8x10xf32, #tpu.memory_space<vmem>>, vector<1x10xf32>
    %get3A_653 = vector.shape_cast %get3A_652 : vector<1x10xf32> to vector<10xf32>
    %broadcast_in_dim3A_654 = vector.shape_cast %get3A_653 : vector<10xf32> to vector<1x10xf32>
    %add3A_655 = vector.broadcast %broadcast_in_dim3A_654 : vector<1x10xf32> to vector<32x10xf32>
    %add3A_656 = arith.addf %dot_general3A_649, %add3A_655 : vector<32x10xf32>
    %swap3A_657 = arith.constant 6 : index
    %swap3A_658 = arith.constant 0 : index
    %swap3A_659 = arith.constant 0 : index
    %swap3A_660 = vector.load %arg5[%swap3A_657, %swap3A_658, %swap3A_659] : memref<8x32x10xf32, #tpu.memory_space<vmem>>, vector<1x32x10xf32>
    %swap3A_661 = vector.shape_cast %swap3A_660 : vector<1x32x10xf32> to vector<32x10xf32>
    %swap3A_662 = vector.shape_cast %add3A_656 : vector<32x10xf32> to vector<1x32x10xf32>
    tpu.vector_store %arg5[%swap3A_657, %swap3A_658, %swap3A_659], %swap3A_662 {strides = array<i32>} : memref<8x32x10xf32, #tpu.memory_space<vmem>>, vector<1x32x10xf32>,
    %get3A_663 = arith.constant 7 : index
    %get3A_664 = arith.constant 0 : index
    %get3A_665 = arith.constant 0 : index
    %get3A_666 = vector.load %arg1[%get3A_663, %get3A_664, %get3A_665] : memref<8x32x64xf32, #tpu.memory_space<vmem>>, vector<1x32x64xf32>
    %get3A_667 = vector.shape_cast %get3A_666 : vector<1x32x64xf32> to vector<32x64xf32>
    %dot_general3A_668 = arith.constant dense<0.000000e+00> : vector<32x64xf32>
    %dot_general3A_669 = tpu.matmul %get3A_1, %get3A_667, %dot_general3A_668 {dimension_numbers = #tpu.dot_dimension_numbers<[1], [0], [0], [1], [0, 0, 1, 1], [], []>, transpose_lhs_hint = false} : vector<32x32xf32>, vector<32x64xf32>, vector<32x64xf32> -> vector<32x64xf32>
    %get3A_670 = arith.constant 7 : index
    %get3A_671 = arith.constant 0 : index
    %get3A_672 = vector.load %arg2[%get3A_670, %get3A_671] : memref<8x64xf32, #tpu.memory_space<vmem>>, vector<1x64xf32>
    %get3A_673 = vector.shape_cast %get3A_672 : vector<1x64xf32> to vector<64xf32>
    %broadcast_in_dim3A_674 = vector.shape_cast %get3A_673 : vector<64xf32> to vector<1x64xf32>
    %add3A_675 = vector.broadcast %broadcast_in_dim3A_674 : vector<1x64xf32> to vector<32x64xf32>
    %add3A_676 = arith.addf %dot_general3A_669, %add3A_675 : vector<32x64xf32>
    %mul3A_677 = arith.constant 5.000000e-01 : f32
    %mul3A_678 = vector.broadcast %mul3A_677 : f32 to vector<32x64xf32>
    %mul3A_679 = arith.mulf %mul3A_678, %add3A_676 : vector<32x64xf32>
    %mul3A_680 = arith.constant 0.707106769 : f32
    %mul3A_681 = vector.broadcast %mul3A_680 : f32 to vector<32x64xf32>
    %mul3A_682 = arith.mulf %add3A_676, %mul3A_681 : vector<32x64xf32>
    %sign3A_683 = tpu.bitcast %mul3A_682 : vector<32x64xf32> -> vector<32x64xi32>
    %sign3A_684 = arith.constant -2147483648 : i32
    %sign3A_685 = vector.broadcast %sign3A_684 : i32 to vector<32x64xi32>
    %sign3A_686 = arith.andi %sign3A_683, %sign3A_685 : vector<32x64xi32>
    %sign3A_687 = arith.constant 1065353216 : i32
    %sign3A_688 = vector.broadcast %sign3A_687 : i32 to vector<32x64xi32>
    %sign3A_689 = arith.ori %sign3A_688, %sign3A_686 : vector<32x64xi32>
    %sign3A_690 = tpu.bitcast %sign3A_689 : vector<32x64xi32> -> vector<32x64xf32>
    %sign3A_691 = math.absf %mul3A_682 : vector<32x64xf32>
    %sign3A_692 = arith.constant 0.000000e+00 : f32
    %sign3A_693 = vector.broadcast %sign3A_692 : f32 to vector<32x64xf32>
    %sign3A_694 = arith.cmpf ogt, %sign3A_691, %sign3A_693 : vector<32x64xf32>
    %sign3A_695 = arith.select %sign3A_694, %sign3A_690, %mul3A_682 : vector<32x64xi1>, vector<32x64xf32>
    %abs3A_696 = math.absf %mul3A_682 : vector<32x64xf32>
    %mul3A_697 = arith.constant 0.327591091 : f32
    %mul3A_698 = vector.broadcast %mul3A_697 : f32 to vector<32x64xf32>
    %mul3A_699 = arith.mulf %mul3A_698, %abs3A_696 : vector<32x64xf32>
    %add3A_700 = arith.constant 1.000000e+00 : f32
    %add3A_701 = vector.broadcast %add3A_700 : f32 to vector<32x64xf32>
    %add3A_702 = arith.addf %add3A_701, %mul3A_699 : vector<32x64xf32>
    %div3A_703 = arith.constant 1.000000e+00 : f32
    %div3A_704 = vector.broadcast %div3A_703 : f32 to vector<32x64xf32>
    %div3A_705 = arith.divf %div3A_704, %add3A_702 : vector<32x64xf32>
    %mul3A_706 = arith.constant 1.06140542 : f32
    %mul3A_707 = vector.broadcast %mul3A_706 : f32 to vector<32x64xf32>
    %mul3A_708 = arith.mulf %div3A_705, %mul3A_707 : vector<32x64xf32>
    %add3A_709 = arith.constant -1.45315206 : f32
    %add3A_710 = vector.broadcast %add3A_709 : f32 to vector<32x64xf32>
    %add3A_711 = arith.addf %add3A_710, %mul3A_708 : vector<32x64xf32>
    %mul3A_712 = arith.mulf %div3A_705, %add3A_711 : vector<32x64xf32>
    %add3A_713 = arith.constant 1.42141378 : f32
    %add3A_714 = vector.broadcast %add3A_713 : f32 to vector<32x64xf32>
    %add3A_715 = arith.addf %add3A_714, %mul3A_712 : vector<32x64xf32>
    %mul3A_716 = arith.mulf %div3A_705, %add3A_715 : vector<32x64xf32>
    %add3A_717 = arith.constant -0.284496725 : f32
    %add3A_718 = vector.broadcast %add3A_717 : f32 to vector<32x64xf32>
    %add3A_719 = arith.addf %add3A_718, %mul3A_716 : vector<32x64xf32>
    %mul3A_720 = arith.mulf %div3A_705, %add3A_719 : vector<32x64xf32>
    %add3A_721 = arith.constant 0.254829586 : f32
    %add3A_722 = vector.broadcast %add3A_721 : f32 to vector<32x64xf32>
    %add3A_723 = arith.addf %add3A_722, %mul3A_720 : vector<32x64xf32>
    %mul3A_724 = arith.mulf %div3A_705, %add3A_723 : vector<32x64xf32>
    %neg3A_725 = arith.constant 0.000000e+00 : f32
    %neg3A_726 = vector.broadcast %neg3A_725 : f32 to vector<32x64xf32>
    %neg3A_727 = arith.subf %neg3A_726, %abs3A_696 : vector<32x64xf32>
    %mul3A_728 = arith.mulf %neg3A_727, %abs3A_696 : vector<32x64xf32>
    %exp3A_729 = math.exp %mul3A_728 : vector<32x64xf32>
    %mul3A_730 = arith.mulf %mul3A_724, %exp3A_729 : vector<32x64xf32>
    %sub3A_731 = arith.constant 1.000000e+00 : f32
    %sub3A_732 = vector.broadcast %sub3A_731 : f32 to vector<32x64xf32>
    %sub3A_733 = arith.subf %sub3A_732, %mul3A_730 : vector<32x64xf32>
    %mul3A_734 = arith.mulf %sign3A_695, %sub3A_733 : vector<32x64xf32>
    %add3A_735 = arith.constant 1.000000e+00 : f32
    %add3A_736 = vector.broadcast %add3A_735 : f32 to vector<32x64xf32>
    %add3A_737 = arith.addf %add3A_736, %mul3A_734 : vector<32x64xf32>
    %mul3A_738 = arith.mulf %mul3A_679, %add3A_737 : vector<32x64xf32>
    %get3A_739 = arith.constant 7 : index
    %get3A_740 = arith.constant 0 : index
    %get3A_741 = arith.constant 0 : index
    %get3A_742 = vector.load %arg3[%get3A_739, %get3A_740, %get3A_741] : memref<8x64x10xf32, #tpu.memory_space<vmem>>, vector<1x64x10xf32>
    %get3A_743 = vector.shape_cast %get3A_742 : vector<1x64x10xf32> to vector<64x10xf32>
    %dot_general3A_744 = arith.constant dense<0.000000e+00> : vector<32x10xf32>
    %dot_general3A_745 = tpu.matmul %mul3A_738, %get3A_743, %dot_general3A_744 {dimension_numbers = #tpu.dot_dimension_numbers<[1], [0], [0], [1], [0, 0, 1, 1], [], []>, transpose_lhs_hint = false} : vector<32x64xf32>, vector<64x10xf32>, vector<32x10xf32> -> vector<32x10xf32>
    %get3A_746 = arith.constant 7 : index
    %get3A_747 = arith.constant 0 : index
    %get3A_748 = vector.load %arg4[%get3A_746, %get3A_747] : memref<8x10xf32, #tpu.memory_space<vmem>>, vector<1x10xf32>
    %get3A_749 = vector.shape_cast %get3A_748 : vector<1x10xf32> to vector<10xf32>
    %broadcast_in_dim3A_750 = vector.shape_cast %get3A_749 : vector<10xf32> to vector<1x10xf32>
    %add3A_751 = vector.broadcast %broadcast_in_dim3A_750 : vector<1x10xf32> to vector<32x10xf32>
    %add3A_752 = arith.addf %dot_general3A_745, %add3A_751 : vector<32x10xf32>
    %swap3A_753 = arith.constant 7 : index
    %swap3A_754 = arith.constant 0 : index
    %swap3A_755 = arith.constant 0 : index
    %swap3A_756 = vector.load %arg5[%swap3A_753, %swap3A_754, %swap3A_755] : memref<8x32x10xf32, #tpu.memory_space<vmem>>, vector<1x32x10xf32>
    %swap3A_757 = vector.shape_cast %swap3A_756 : vector<1x32x10xf32> to vector<32x10xf32>
    %swap3A_758 = vector.shape_cast %add3A_752 : vector<32x10xf32> to vector<1x32x10xf32>
    tpu.vector_store %arg5[%swap3A_753, %swap3A_754, %swap3A_755], %swap3A_758 {strides = array<i32>} : memref<8x32x10xf32, #tpu.memory_space<vmem>>, vector<1x32x10xf32>,
    return
  }
}

</mosaic_0001>

<sc_bundles>
// kernel: kernel.4.cloned.1.call-start
scs
__scs_entry_jumppad:
0x0: {  	(pc) =	sbr.rel $0x88, $3  }
0x1: {  	(tag) =	ssettag $0x0;
	lr =	simm.s32 $0x1  }
0x2: {  	[smem:$0x3F16] =	sst lr;
	_ =	strace $0xD0000000  }
0x3: {  	_ = 	snop  }
0x4: {  	_ = 	snop  }
0x5: {  	_ = 	snop  }
0x6: {  	_ = 	snop  }
0x7: {  	_ = 	snop  }
__scs_overlays_trampoline_lowered:
0x8: {  	[smem:$0x3F25] =	sst s0  }
0x9: {  	[smem:$0x3F26] =	sst s1  }
0xa: {  	[smem:$0x3F27] =	sst s2  }
0xb: {  	[smem:$0x3F28] =	sst s3  }
0xc: {  	[smem:$0x3F29] =	sst s4  }
0xd: {  	[smem:$0x3F2A] =	sst s5  }
0xe: {  	[smem:$0x3F2B] =	sst s6  }
0xf: {  	[smem:$0x3F2C] =	sst s7  }
0x10: {  	[smem:$0x3F2D] =	sst s8  }
0x11: {  	[smem:$0x3F2E] =	sst s9;
	s0 =	simm.s32 @!p0 $0x0  }
0x12: {  	s1 =	sld [smem:$0x3F14];
	s0 =	simm.s32 @p0 $0x1  }
0x13: {  	[smem:$0x3F2F] =	sst s0;
	s0 =	simm.s32 @!p1 $0x0  }
0x14: {  	s2 =	sld [smem:$0x3F13];
	s0 =	simm.s32 @p1 $0x1  }
0x15: {  	[smem:$0x3F30] =	sst s0;
	s0 =	simm.s32 @!p2 $0x0  }
0x16: {  	s3 =	sld [smem:$0x3FDB];
	s0 =	simm.s32 @p2 $0x1  }
0x17: {  	s4 =	simm.s32 $0x1BF5;
	[smem:$0x3F32] =	sst s0  }
0x18: {  	s0 =	sld [smem:$0x3F15];
	_ =	swait.ge [sflag:s4], $0x0  }
0x19: {  	s7 =	sld [smem:$0x3F16]  }
0x1a: {  	s8 =	sadd.s32 $0xFFFFE003, lr  }
0x1b: {  	s9 =	sadd.s32 $0xFFFFFEF7, lr;
	s5 =	simm.s32 $0xFFFFFFFF;
	p2 =	slt.u32 s8, $0xFFFFF086  }
0x1c: {  	p1 =	slt.u32 s9, $0xF7A;
	s5 =	simm.s32 @!p2 $0x0  }
0x1d: {  	s5 =	simm.s32 @p1 $0x1;
	p0 =	seq.s32 s7, s2  }
0x1e: {  	s7 =	smul.u32 @!p0 $0xF7A, s2;
	p2 =	seq.s32 @!p0 s5, $0x0  }
0x1f: {  	s9 =	smul.u32 $0xF7A, s1;
	s8 =	simm.s32 @!p0 $0x1BF5;
	p2 =	por !p2, p0  }
0x20: {  	[sflag:s8] =	ssyncset.s32 @!p0 $0xFFFFF086;
	s6 =	sadd.s32 @!p0 s3, s7;
	s7 =	simm.s32 @!p0 $0x108  }
0x21: {  	s3 =	sadd.s32 s3, s9;
	s6 =	sadd.s32 @!p0 $0x88, s6;
	s7 =	simm.s32 @p2 $0x1082  }
0x22: {  	[simem:s7], [sflag:s8] =	dma.local @!p0 [hbm:s6], $0xF7A  }
0x23: {  	s9 =	sor.u32 $0xD0000000, s2;
	s6 =	simm.s32 $0x108;
	_ =	swait.ge @!p0 [sflag:s8], $0x0  }
0x24: {  	s3 =	sadd.s32 $0x88, s3;
	s6 =	simm.s32 @!p1 $0x1082;
	[sflag:s4] =	ssyncset.s32 $0xFFFFF086  }
0x25: {  	[simem:s6], [sflag:s4] =	dma.local [hbm:s3], $0xF7A  }
0x26: {  	[smem:$0x3F16] =	sst s1;
	(tag) =	ssettag s2;
	_ =	strace s9  }
0x27: {  	s1 =	sld [smem:$0x3F26]  }
0x28: {  	s2 =	sld [smem:$0x3F27]  }
0x29: {  	s4 =	sld [smem:$0x3F29]  }
0x2a: {  	p0 =	seq.s32 s5, $0x0;
	s5 =	sld [smem:$0x3F2A]  }
0x2b: {  	s6 =	sld [smem:$0x3F2B]  }
0x2c: {  	s7 =	sld [smem:$0x3F2C]  }
0x2d: {  	s3 =	simm.s32 $0x108;
	s8 =	sld [smem:$0x3F2D]  }
0x2e: {  	s3 =	simm.s32 @!p0 $0x1082;
	s9 =	sld [smem:$0x3F2E]  }
0x2f: {  	lr =	sadd.s32 s0, s3;
	s0 =	sld [smem:$0x3F25]  }
0x30: {  	s3 =	sld [smem:$0x3F28]  }
0x31: {  	[smem:$0x3F31] =	sst s10  }
0x32: {  	s10 =	sld [smem:$0x3F2F];
	_ =	sdelay $0x3  }
0x33: {  	p0 =	seq.s32 s10, $0x1;
	s10 =	sld [smem:$0x3F31];
	_ =	sdelay $0x3  }
0x34: {  	[smem:$0x3F31] =	sst s10  }
0x35: {  	s10 =	sld [smem:$0x3F30];
	_ =	sdelay $0x3  }
0x36: {  	p1 =	seq.s32 s10, $0x1;
	s10 =	sld [smem:$0x3F31];
	_ =	sdelay $0x3  }
0x37: {  	[smem:$0x3F31] =	sst s10  }
0x38: {  	s10 =	sld [smem:$0x3F32]  }
0x39: {  	_ = 	snop;
	(pc) =	sbr.ind lr, $3  }
0x3a: {  	_ = 	snop  }
0x3b: {  	_ = 	snop  }
0x3c: {  	p2 =	seq.s32 s10, $0x1;
	s10 =	sld [smem:$0x3F31]  }
0x3d: {  	_ =	shalt  }
0x3e: {  	_ =	shalt  }
0x3f: {  	_ =	shalt  }
0x40: {  	_ =	shalt  }
0x41: {  	_ =	shalt  }
0x42: {  	_ =	shalt  }
0x43: {  	_ =	shalt  }
0x44: {  	_ =	shalt  }
0x45: {  	_ =	shalt  }
0x46: {  	_ =	shalt  }
0x47: {  	_ =	shalt  }
0x48: {  	_ =	shalt  }
0x49: {  	_ =	shalt  }
0x4a: {  	_ =	shalt  }
0x4b: {  	_ =	shalt  }
0x4c: {  	_ =	shalt  }
0x4d: {  	_ =	shalt  }
0x4e: {  	_ =	shalt  }
0x4f: {  	_ =	shalt  }
0x50: {  	_ =	shalt  }
0x51: {  	_ =	shalt  }
0x52: {  	_ =	shalt  }
0x53: {  	_ =	shalt  }
0x54: {  	_ =	shalt  }
0x55: {  	_ =	shalt  }
0x56: {  	_ =	shalt  }
0x57: {  	_ =	shalt  }
0x58: {  	_ =	shalt  }
0x59: {  	_ =	shalt  }
0x5a: {  	_ =	shalt  }
0x5b: {  	_ =	shalt  }
0x5c: {  	_ =	shalt  }
0x5d: {  	_ =	shalt  }
0x5e: {  	_ =	shalt  }
0x5f: {  	_ =	shalt  }
0x60: {  	_ =	shalt  }
0x61: {  	_ =	shalt  }
0x62: {  	_ =	shalt  }
0x63: {  	_ =	shalt  }
0x64: {  	_ =	shalt  }
0x65: {  	_ =	shalt  }
0x66: {  	_ =	shalt  }
0x67: {  	_ =	shalt  }
0x68: {  	_ =	shalt  }
0x69: {  	_ =	shalt  }
0x6a: {  	_ =	shalt  }
0x6b: {  	_ =	shalt  }
0x6c: {  	_ =	shalt  }
0x6d: {  	_ =	shalt  }
0x6e: {  	_ =	shalt  }
0x6f: {  	_ =	shalt  }
0x70: {  	_ =	shalt  }
0x71: {  	_ =	shalt  }
0x72: {  	_ =	shalt  }
0x73: {  	_ =	shalt  }
0x74: {  	_ =	shalt  }
0x75: {  	_ =	shalt  }
0x76: {  	_ =	shalt  }
0x77: {  	_ =	shalt  }
0x78: {  	_ =	shalt  }
0x79: {  	_ =	shalt  }
0x7a: {  	_ =	shalt  }
0x7b: {  	_ =	shalt  }
0x7c: {  	_ =	shalt  }
0x7d: {  	_ =	shalt  }
0x7e: {  	_ =	shalt  }
0x7f: {  	_ =	shalt  }
0x80: {  	_ =	shalt  }
0x81: {  	_ =	shalt  }
0x82: {  	_ =	shalt  }
0x83: {  	_ =	shalt  }
0x84: {  	_ =	shalt  }
0x85: {  	_ =	shalt  }
0x86: {  	_ =	shalt  }
0x87: {  	_ =	shalt  }
.Lfunc_end0:
.L_simem_size_0:
called_computation_lowered:
.L_overlay_start_0:
0x88: {  	s2 =	sld [smem:$0x3FD9]  }
0x89: {  	s3 =	sld [smem:$0x3FFE];
	_ =	sdelay $0x1  }
0x8a: {  	s1 =	srdreg.scid  }
0x8b: {  	s0 =	sand.u32 $0x1, s1  }
0x8c: {  	s17 =	sshll.u32 s0, $0xA;
	s2 =	sadd.s32 s3, s2  }
0x8d: {  	s2 =	sadd.s32 s2, s17  }
0x8e: {  	[smem:$0x3F3D] =	sst s2  }
0x8f: {  	_ = 	snop  }
0x90: {  	s2 =	sld [smem:$0x3FD0];
	(tm) =	ssettm $0x1  }
0x91: {  	s18 =	sld [smem:$0x3FFB];
	_ =	sdelay $0x3  }
0x92: {  	_ =	strace s18  }
0x93: {  	s3 =	sld [smem:$0x3FFC];
	_ =	sdelay $0x3  }
0x94: {  	_ =	strace s3  }
0x95: {  	s3 =	sld [smem:$0x3FFD];
	_ =	sdelay $0x3  }
0x96: {  	_ =	strace s3  }
0x97: {  	_ =	strace $0x8FFFFFFF  }
0x98: {  	s19 =	sld [smem:$0x3FDB];
	_ =	sdelay $0x1  }
0x99: {  	s4 =	simm.s32 $_scs_section_size  }
0x9a: {  	s5 =	simm.s32 $_size__tile_overlayer_lowered;
	s6 =	simm.s32 $_tile_overlayer_lowered  }
0x9b: {  	s22 =	simm.s32 $0x1BFF;
	s21 =	sshll.u32 s6, $0x1;
	s3 =	sadd.s32 s4, s19  }
0x9c: {  	s7 =	simm.s32 $0x0;
	s20 =	sshll.u32 s5, $0x1;
	s5 =	sadd.s32 s21, s3  }
0x9d: {  	[timem:s7], [sflag:s22] =	dma.local [hbm:s5], s20  }
0x9e: {  	_ =	swait.ge [sflag:s22], s20  }
0x9f: {  	s4 =	ssub.s32 $0x0, s20;
	[sflag:s22] =	ssyncset.done $0x0  }
0xa0: {  	[sflag:s22] =	ssyncadd.s32 s4;
	_ =	sdelay $0x1  }
0xa1: {  	s23 =	simm.s32 $0x1B8B  }
0xa2: {  	_ =	swait.ge [sflag:s23], $0x1  }
0xa3: {  	[sflag:s23] =	ssyncset.done $0x0  }
0xa4: {  	s25 =	simm.s32 $0x1B8E;
	s24 =	sld [smem:$0x3FFE];
	[sflag:s23] =	ssyncadd.s32 $0xFFFFFFFF  }
0xa5: {  	s26 =	simm.s32 $execute0_lowered;
	[smem:$0x3FD2] =	sst s25  }
0xa6: {  	s5 =	sshll.u32 s26, $0x1;
	_ =	strace $0x80000046;
	[dreg:$0x1] =	wrdreg $0xFFFFFFFF  }
0xa7: {  	s28 =	simm.s32 $_size_execute0_lowered;
	s3 =	sadd.s32 s3, s5;
	[dreg:$0x0] =	wrdreg $0x0  }
0xa8: {  	s5 =	sshll.u32 s28, $0x1;
	[dreg:$0x2] =	wrdreg s3  }
0xa9: {  	[dreg:$0x3] =	wrdreg s5  }
0xaa: {  	[dreg:$0x4] =	wrdreg $0xC0  }
0xab: {  	_ =	task [dreg:s7], $0x5FFFF  }
0xac: {  	[dreg:$0x1] =	wrdreg $0xFFFFFFFF  }
0xad: {  	[dreg:$0x0] =	wrdreg $0x60  }
0xae: {  	[dreg:$0x2] =	wrdreg s2  }
0xaf: {  	[dreg:$0x3] =	wrdreg s24  }
0xb0: {  	[dreg:$0x4] =	wrdreg $0x9  }
0xb1: {  	_ =	task.clear_ibuf [dreg:s7], $0x5FFFF;
	_ =	strace $0x90000046  }
0xb2: {  	s29 =	simm.s32 $0x9;
	_ =	strace $0x80000048  }
0xb3: {  	_ =	swait.ge [sflag:s29], $0x1  }
0xb4: {  	[sflag:s29] =	ssyncadd.s32 $0xFFFFFFFF  }
0xb5: {  	_ =	strace $0x90000048  }
0xb6: {  	_ =	sfence  }
0xb7: {  	s30 =	sld [smem:$0x0];
	_ =	sdelay $0x2  }
0xb8: {  	s31 =	sshll.u32 s1, $0xD;
	s1 =	sshrl.u32 s1, $0x2  }
0xb9: {  	s3 =	sand.u32 $0x4000, s31;
	s1 =	sadd.s32 s1, s30  }
0xba: {  	s0 =	sor.u32 s3, s0;
	s1 =	sshll.u32 s1, $0x11  }
0xbb: {  	s0 =	sor.u32 s1, s0  }
0xbc: {  	s0 =	sadd.s32 $0x8F2B, s0  }
0xbd: {  	[sflag:s0] =	ssyncadd.remote.s32 $0x1  }
0xbe: {  	_ =	sfence.sel $0xFFFF  }
0xbf: {  	[dreg:$0x0] =	wrdreg $0xFFFFFFFF;
	(pc) =	sbr.abs _section_cstart, $3  }
0xc0: {  	[dreg:$0x1] =	wrdreg $0xFFFFFFFF  }
0xc1: {  	_ =	task.clear_ibuf [dreg:s7], $0x2FFFF;
	_ =	strace $0x9FFFFFFF  }
0xc2: {  	(tm) =	ssettm $0x7FFFFFFF  }
0xc3: {  	_ =	shalt  }
tec
execute0_lowered:
.L_overlay_start_1:
0x0: {  	(tag) =	ssettag $0x1  }
0x1: {  	s2 =	rddreg [dreg:$0x0]  }
0x2: {  	s8 =	rddreg [dreg:$0x1]  }
0x3: {  	s0 =	rddreg [dreg:$0x2];
	s3 =	simm.s32 $0x0;
	s4 =	srdreg.scid  }
0x4: {  	s1 =	stileid.u32;
	[smem:$0x7FF] =	sst s3;
	s10 =	sand.u32 $0x1, s4  }
0x5: {  	s5 =	sshll.u32 s1, $0x1;
	s4 =	simm.s32 $0x1;
	_ =	strace $0x80000047  }
0x6: {  	[tilespmem:s3], [sflag:$0x1] =	stream.linear.gather [hbm4b:s2+s3], $0x100, $0x38;
	[tilespmem:$0xB80] =	vst v63  }
0x7: {  	s9 =	sor.u32 s10, s5;
	_ =	swait.ge [sflag:s4], $0x100  }
0x8: {  	v0 =	vlaneseq.u32;
	s6 =	sshll.u32 s9, $0x3;
	[sflag:s4] =	ssyncset.done $0x0  }
0x9: {  	s5 =	sadd.s32 $0x12600, s8;
	v1 =	vadd.s32 s6, v0;
	s6 =	simm.s32 $0x100;
	[sflag:s4] =	ssyncadd.s32 $0xFFFFFF00  }
0xa: {  	[tilespmem:s6], [sflag:$0x1] =	stream.linear.gather [hbm4b:s5+s3], $0xA00, $0x38;
	[tilespmem:$0xB80] =	vst v63  }
0xb: {  	_ =	swait.ge [sflag:s4], $0xA00  }
0xc: {  	[sflag:s4] =	ssyncset.done $0x0  }
0xd: {  	[sflag:s4] =	ssyncadd.s32 $0xFFFFF600  }
0xe: {  	v2 =	vld.idx.msk [tilespmem:v1+s3+$0x0], $0xff;
	_ =	sdelay $0x3  }
0xf: {  	vm0 =	vmmov $0xff  }
0x10: {  	v2 =	vnsel vm0, $0xFF800000, v2  }
0x11: {  	(xrf1) =	vsort.dscd.msk.f32 $0xffff, v2, v0;
	_ =	sdelay $0xd  }
0x12: {  	vm1 =	vmmov $0x3;
	v2, v3, _ =	vpop (xrf1)  }
0x13: {  	v2 =	vnsel vm1, $0xFF800000, v2  }
0x14: {  	(xrf0) =	vmax.scan.msk.f32 $0xffff, v2;
	_ =	sdelay $0x5  }
0x15: {  	v4, _, _ =	vpop (xrf0)  }
0x16: {  	v4 =	vbroadcast v4, $0xF;
	_ =	sdelay $0x1  }
0x17: {  	v2 =	vsub.f32 v2, v4;
	_ =	sdelay $0x1  }
0x18: {  	v2 =	vmul.f32 $1.442695020e+00, v2;
	_ =	sdelay $0x1  }
0x19: {  	(erf) = vpow2.f32 v2;
	_ =	sdelay $0x8  }
0x1a: {  	v2 =	vpop (erf)  }
0x1b: {  	v2 =	vnsel vm1, $0x0, v2  }
0x1c: {  	vm2 =	vmmov $0x1;
	(xrf2) =	vadd.scan.msk.f32 $0xffff, v2  }
0x1d: {  	vm3 =	vcmask $0x308;
	v62 =	vnsel vm2, $0x0, v3  }
0x1e: {  	v3 =	vsel vm3, $0x0, v3;
	(xrf0) =	vadd.scan.msk.s32 $0xffff, v62  }
0x1f: {  	(xrf0) =	vadd.scan.msk.s32 $0xffff, v3;
	_ =	sdelay $0x4  }
0x20: {  	v3, _, _ =	vpop (xrf0)  }
0x21: {  	(v2sf) =	vpush v3, $0xF;
	v3, _, _ =	vpop (xrf0)  }
0x22: {  	(v2sf) =	vpush v3, $0xF;
	v3, _, _ =	vpop (xrf2)  }
0x23: {  	v3 =	vbroadcast v3, $0xF;
	_ =	sdelay $0x1  }
0x24: {  	(erf) = vrcp.f32 v3;
	_ =	sdelay $0x8  }
0x25: {  	v3 =	vpop (erf)  }
0x26: {  	v2 =	vmul.f32 v3, v2;
	_ =	sdelay $0x1  }
0x27: {  	s7 =	smul.u32 $0xA, s9;
	s11 =	spop (v2sf);
	v3 =	vnsel vm2, $0x0, v2  }
0x28: {  	s12 =	spop (v2sf);
	s11 =	smul.u32 $0x140, s11;
	v2 =	vsel vm3, $0x0, v2;
	(xrf2) =	vadd.scan.msk.f32 $0xffff, v3  }
0x29: {  	s12 =	smul.u32 $0x140, s12;
	(xrf2) =	vadd.scan.msk.f32 $0xffff, v2  }
0x2a: {  	s11 =	sadd.s32 s7, s11  }
0x2b: {  	s12 =	sadd.s32 s7, s12;
	v3 =	vadd.s32 s11, v0  }
0x2c: {  	v2 =	vadd.s32 s12, v0;
	_ =	sdelay $0x3  }
0x2d: {  	v3 =	vld.idx.msk [tilespmem:v3+s6+$0x0], $0x3ff  }
0x2e: {  	v2 =	vld.idx.msk [tilespmem:v2+s6+$0x0], $0x3ff  }
0x2f: {  	s10 =	ssub.s32 $0x2, s10;
	v63, _, _ =	vpop (xrf2)  }
0x30: {  	s31 =	sshrl.u32 s10, $0x1;
	v5, _, _ =	vpop (xrf2)  }
0x31: {  	s10 =	ssub.s32 s10, s31;
	v4 =	vbroadcast v63, $0xF;
	v5 =	vbroadcast v5, $0xF  }
0x32: {  	s10 =	smax.u32 s10, $0x1  }
0x33: {  	p0 =	sne.s32 s10, $0x1;
	v3 =	vmul.f32 v4, v3;
	v2 =	vmul.f32 v5, v2  }
.Ltmp0:
0x34: {  	_ = 	snop;
	(pc) =	sbr.rel @!p0 .LBB2_2-.Ltmp0, $4  }
0x35: {  	v2 =	vadd.f32 v2, v3  }
0x36: {  	vm4 =	vmmov $0x3ff;
	s9 =	sshll.u32 s9, $0x4  }
0x37: {  	s8 =	sadd.s32 s9, s8;
	v2 =	vnsel vm4, $0x0, v2  }
0x38: {  	s9 =	simm.s32 $0xB00;
	s8 =	sadd.s32 $0x12800, s8;
	s10 =	sadd.s32 $0xFFFFFFFF, s10;
	[tilespmem:$0xB00] =	vst v2  }
.LBB2_1:
0x39: {  	[hbm4b:s8+s3] =	stream.linear.scatter [tilespmem:s9], [sflag:$0x1], $0x80, $0x38;
	[tilespmem:$0xB80] =	vst v63  }
0x3a: {  	p0 =	sne.s32 s10, $0x1;
	s10 =	sadd.s32 $0xFFFFFFFF, s10;
	_ =	swait.ge [sflag:s4], $0x80  }
0x3b: {  	[sflag:s4] =	ssyncset.done $0x0  }
0x3c: {  	[sflag:s4] =	ssyncadd.s32 $0xFFFFFF80  }
0x3d: {  	[tilespmem:s3], [sflag:$0x1] =	stream.linear.gather [hbm4b:s2+s3], $0x100, $0x38;
	[tilespmem:$0xB80] =	vst v63  }
0x3e: {  	_ =	swait.ge [sflag:s4], $0x100  }
0x3f: {  	[sflag:s4] =	ssyncset.done $0x0  }
0x40: {  	[sflag:s4] =	ssyncadd.s32 $0xFFFFFF00  }
0x41: {  	[tilespmem:s6], [sflag:$0x1] =	stream.linear.gather [hbm4b:s5+s3], $0xA00, $0x38;
	[tilespmem:$0xB80] =	vst v63  }
0x42: {  	_ =	swait.ge [sflag:s4], $0xA00  }
0x43: {  	[sflag:s4] =	ssyncset.done $0x0  }
0x44: {  	[sflag:s4] =	ssyncadd.s32 $0xFFFFF600  }
0x45: {  	v2 =	vld.idx.msk [tilespmem:v1+s3+$0x0], $0xff;
	_ =	sdelay $0x5  }
0x46: {  	v2 =	vnsel vm0, $0xFF800000, v2  }
0x47: {  	(xrf1) =	vsort.dscd.msk.f32 $0xffff, v2, v0;
	_ =	sdelay $0xd  }
0x48: {  	v2, v3, _ =	vpop (xrf1)  }
0x49: {  	v2 =	vnsel vm1, $0xFF800000, v2;
	v4 =	vnsel vm2, $0x0, v3;
	v3 =	vsel vm3, $0x0, v3  }
0x4a: {  	(xrf0) =	vmax.scan.msk.f32 $0xffff, v2  }
0x4b: {  	(xrf0) =	vadd.scan.msk.s32 $0xffff, v4  }
0x4c: {  	(xrf0) =	vadd.scan.msk.s32 $0xffff, v3;
	_ =	sdelay $0x3  }
0x4d: {  	v3, _, _ =	vpop (xrf0)  }
0x4e: {  	v3 =	vbroadcast v3, $0xF;
	v4, _, _ =	vpop (xrf0)  }
0x4f: {  	(v2sf) =	vpush v4, $0xF;
	v4, _, _ =	vpop (xrf0)  }
0x50: {  	v2 =	vsub.f32 v2, v3;
	(v2sf) =	vpush v4, $0xF;
	_ =	sdelay $0x1  }
0x51: {  	v2 =	vmul.f32 $1.442695020e+00, v2;
	_ =	sdelay $0x1  }
0x52: {  	(erf) = vpow2.f32 v2;
	_ =	sdelay $0x8  }
0x53: {  	v2 =	vpop (erf)  }
0x54: {  	v2 =	vnsel vm1, $0x0, v2;
	s11 =	spop (v2sf)  }
0x55: {  	s11 =	smul.u32 $0x140, s11;
	(xrf2) =	vadd.scan.msk.f32 $0xffff, v2;
	s12 =	spop (v2sf)  }
0x56: {  	s12 =	smul.u32 $0x140, s12  }
0x57: {  	s11 =	sadd.s32 s7, s11  }
0x58: {  	v3 =	vadd.s32 s11, v0;
	s11 =	sadd.s32 s7, s12  }
0x59: {  	v4 =	vadd.s32 s11, v0;
	_ =	sdelay $0x5  }
0x5a: {  	v5, _, _ =	vpop (xrf2)  }
0x5b: {  	v5 =	vbroadcast v5, $0xF;
	_ =	sdelay $0x1  }
0x5c: {  	(erf) = vrcp.f32 v5;
	_ =	sdelay $0x8  }
0x5d: {  	v5 =	vpop (erf)  }
0x5e: {  	v2 =	vmul.f32 v5, v2;
	_ =	sdelay $0x1  }
0x5f: {  	v5 =	vnsel vm2, $0x0, v2;
	v2 =	vsel vm3, $0x0, v2  }
0x60: {  	(xrf2) =	vadd.scan.msk.f32 $0xffff, v5;
	_ =	sdelay $0x2  }
0x61: {  	(xrf2) =	vadd.scan.msk.f32 $0xffff, v2;
	_ =	sdelay $0x4  }
0x62: {  	v2 =	vld.idx.msk [tilespmem:v4+s6+$0x0], $0x3ff  }
0x63: {  	v3 =	vld.idx.msk [tilespmem:v3+s6+$0x0], $0x3ff  }
0x64: {  	v4, _, _ =	vpop (xrf2)  }
0x65: {  	v4 =	vbroadcast v4, $0xF;
	_ =	sdelay $0x1  }
0x66: {  	v5, _, _ =	vpop (xrf2)  }
0x67: {  	v5 =	vbroadcast v5, $0xF  }
0x68: {  	v3 =	vmul.f32 v4, v3  }
0x69: {  	v2 =	vmul.f32 v5, v2  }
.Ltmp1:
0x6a: {  	(pc) =	sbr.rel @p0 .LBB2_1-.Ltmp1, $3  }
0x6b: {  	v2 =	vadd.f32 v2, v3;
	_ =	sdelay $0x1  }
0x6c: {  	v2 =	vnsel vm4, $0x0, v2  }
0x6d: {  	[tilespmem:$0xB00] =	vst v2  }
.LBB2_2:
0x6e: {  	[hbm4b:s8+s3] =	stream.linear.scatter [tilespmem:s9], [sflag:$0x1], $0x80, $0x38;
	[tilespmem:$0xB80] =	vst v63  }
0x6f: {  	_ =	swait.ge [sflag:s4], $0x80  }
0x70: {  	[sflag:s4] =	ssyncset.done $0x0  }
0x71: {  	[sflag:s4] =	ssyncadd.s32 $0xFFFFFF80  }
0x72: {  	_ =	sfence.sel $0x180000  }
0x73: {  	[bflag:$0x0] =	sbarrier.arrive $0xFFFF  }
0x74: {  	p0 =	sne.s32 s1, $0x0;
	_ =	strace $0x90000047  }
0x75: {  	s0 =	sadd.s32 @!p0 $0x100000, s0;
	[bflag:$0x2] =	sbarrier.arrive $0xFFFF  }
0x76: {  	[sflag:s0] =	ssyncadd.tile.s32 @!p0 $0x1;
	_ =	shalt  }
.Lfunc_end2:
_tile_overlayer_lowered:
.L_overlay_start_2:
0x77: {  	(tag) =	ssettag $0x2  }
0x78: {  	s0 =	rddreg [dreg:$0x0];
	s2 =	stileid.u32  }
0x79: {  	s1 =	rddreg [dreg:$0x1];
	p0 =	sne.s32 s2, $0x0  }
0x7a: {  	s3 =	rddreg [dreg:$0x2];
	[bflag:$0x3] =	sbarrier.arrive $0xFFFF;
	s2 =	simm.s32 @!p0 $0x1C01  }
0x7b: {  	[timem:s3], [sflag:s2] =	dma.local @!p0 [hbm:s0], s1  }
0x7c: {  	s0 =	simm.s32 @!p0 $0x1  }
0x7d: {  	_ =	swait.ge @!p0 [sflag:s0], s1  }
0x7e: {  	s1 =	ssub.s32 @!p0 $0x0, s1;
	[sflag:s0] =	ssyncset.done @!p0 $0x0  }
0x7f: {  	[sflag:s0] =	ssyncadd.s32 @!p0 s1  }
0x80: {  	[bflag:$0x3] =	sbarrier.arrive $0xFFFF  }
0x81: {  	_ =	shalt  }

</sc_bundles>
